<compile_context>
chip_gen: v7x
topology: tpu7x:2x2x1
jax: 0.10.2.dev20260603
libtpu: 0.0.44.dev20260713+nightly
codegen_flags: <defaults>
</compile_context>

<pallas_src>
import jax
import jax.numpy as jnp
from jax.experimental import pallas as pl
from jax.experimental.pallas import tpu as pltpu

NCLS = 1000
PADC = 1024
BLK = 2048
NKEY = 100000
EPS = 1e-8
TOPK = 10


def _knn_kernel(shift_ref, q_ref, kb_ref, cls_ref, samp_ref, sp_ref,
                tv_out, idx_out, act_out, pred_out,
                sim_ref, vbuf, pbuf, mbuf):
    i = pl.program_id(0)
    nb = pl.num_programs(0)
    BIGI = jnp.int32(2**31 - 1)
    lane = jax.lax.broadcasted_iota(jnp.int32, (1024, 128), 1)

    qn = q_ref[...].astype(jnp.bfloat16)

    def _extract(packed_row):
        def _round_cond(c):
            r, go = c
            return jnp.logical_and(r < 2 * TOPK + 2, go > 0)

        def _round_body(c):
            r, go = c
            m = jnp.max(mbuf[...], axis=1, keepdims=True)
            t = jnp.min(jnp.where(lane < TOPK, vbuf[...], jnp.inf),
                        axis=1, keepdims=True)
            sel = m >= t
            selb = jnp.broadcast_to(sel, (1024, 128))
            nsel = jnp.sum(selb.astype(jnp.int32))

            @pl.when(nsel > 0)
            def _heavy():
                s = sim_ref[...]
                selp = jnp.min(jnp.where(s == m, packed_row, BIGI), axis=1,
                               keepdims=True)
                s2 = jnp.where(packed_row == selp, -jnp.inf, s)
                sim_ref[...] = s2
                bv = vbuf[...]
                bp = pbuf[...]
                dup = jnp.sum((bp == selp).astype(jnp.int32), axis=1,
                              keepdims=True) > 0
                rpos = jnp.sum(((bv > m) | ((bv == m) & (bp < selp)))
                               .astype(jnp.int32), axis=1, keepdims=True)
                inserted = rpos < TOPK
                keep = sel & ~dup & inserted
                fail = sel & ~dup & ~inserted
                mbuf[...] = jnp.where(
                    jnp.broadcast_to(fail, (1024, 128)), -jnp.inf,
                    jnp.broadcast_to(jnp.max(s2, axis=1, keepdims=True),
                                     (1024, 128)))
                sh_v = jnp.concatenate([bv[:, :1], bv[:, :-1]], axis=1)
                sh_p = jnp.concatenate([bp[:, :1], bp[:, :-1]], axis=1)
                ins_v = jnp.where(lane < rpos, bv,
                                  jnp.where(lane == rpos, m, sh_v))
                ins_p = jnp.where(lane < rpos, bp,
                                  jnp.where(lane == rpos, selp, sh_p))
                vbuf[...] = jnp.where(keep, ins_v, bv)
                pbuf[...] = jnp.where(keep, ins_p, bp)

            return r + 1, nsel

        jax.lax.while_loop(_round_cond, _round_body,
                           (jnp.int32(0), jnp.int32(1)))

    @pl.when(i == 0)
    def _warmup():
        vbuf[...] = jnp.full((1024, 128), -jnp.inf, jnp.float32)
        pbuf[...] = jnp.full((1024, 128), -1, jnp.int32)
        kns = samp_ref[...].astype(jnp.bfloat16)
        ssim = jax.lax.dot_general(qn, kns, (((1,), (1,)), ((), ())),
                                   preferred_element_type=jnp.float32)
        sp = sp_ref[0]
        sv = jnp.where(sp >= 0, ssim, -jnp.inf)
        sim_ref[...] = sv
        mbuf[...] = jnp.broadcast_to(
            jnp.max(sv, axis=1, keepdims=True), (1024, 128))
        _extract(sp)

    kn = kb_ref[...].astype(jnp.bfloat16)
    sim = jax.lax.dot_general(qn, kn, (((1,), (1,)), ((), ())),
                              preferred_element_type=jnp.float32)

    col_ids = i * BLK + jax.lax.broadcasted_iota(jnp.int32, (1, BLK), 1)
    cls2 = cls_ref[0]
    packed_blk = col_ids * PADC + cls2
    sv = jnp.where(col_ids < NKEY, sim, -jnp.inf)
    sim_ref[...] = sv
    mbuf[...] = jnp.broadcast_to(
        jnp.max(sv, axis=1, keepdims=True), (1024, 128))
    _extract(packed_blk)

    @pl.when(i == nb - 1)
    def _fin():
        shift = shift_ref[0, 0]
        tv = vbuf[...] + shift
        new_p = pbuf[...]
        tv_out[...] = tv
        idx_out[...] = new_p // PADC
        cls10 = jnp.bitwise_and(new_p, PADC - 1)
        col = jax.lax.broadcasted_iota(jnp.int32, (1024, PADC), 1)
        votes = jnp.where(col < NCLS, jnp.float32(0.0), -jnp.inf)
        for s in range(TOPK):
            v_s = jnp.sum(jnp.where(lane == s, tv, 0.0), axis=1, keepdims=True)
            c_s = jnp.sum(jnp.where(lane == s, cls10, 0), axis=1, keepdims=True)
            votes = votes + jnp.where(col == c_s, v_s, 0.0)
        act_out[...] = votes
        mv = jnp.max(votes, axis=1, keepdims=True)
        pred = jnp.min(jnp.where(votes == mv, col, BIGI), axis=1, keepdims=True)
        pred_out[...] = jnp.broadcast_to(pred, (1024, 128))


def _run(queries, keys, db_classes, shift, interpret=False):
    nb = (NKEY + BLK - 1) // BLK
    npad = nb * BLK
    queries = queries / (jnp.linalg.norm(queries, axis=-1, keepdims=True) + EPS)
    keys = keys / (jnp.linalg.norm(keys, axis=-1, keepdims=True) + EPS)
    keys_p = jnp.pad(keys, ((0, npad - NKEY), (0, 0)))
    cls_flat = jnp.pad(db_classes.astype(jnp.int32), (0, npad - NKEY))
    cls_p = cls_flat.reshape(nb, 1, BLK)
    sidx = jnp.arange(BLK, dtype=jnp.int32) * (npad // BLK)
    samp = jnp.take(keys_p, sidx, axis=0)
    sp = jnp.where(sidx < NKEY, sidx * PADC + jnp.take(cls_flat, sidx),
                   -1).reshape(1, 1, BLK)
    outs = pl.pallas_call(
        _knn_kernel,
        grid=(nb,),
        in_specs=[
            pl.BlockSpec((1, 1), lambda i: (0, 0)),
            pl.BlockSpec((1024, 128), lambda i: (0, 0)),
            pl.BlockSpec((BLK, 128), lambda i: (i, 0)),
            pl.BlockSpec((1, 1, BLK), lambda i: (i, 0, 0)),
            pl.BlockSpec((BLK, 128), lambda i: (0, 0)),
            pl.BlockSpec((1, 1, BLK), lambda i: (0, 0, 0)),
        ],
        out_specs=[
            pl.BlockSpec((1024, 128), lambda i: (0, 0)),
            pl.BlockSpec((1024, 128), lambda i: (0, 0)),
            pl.BlockSpec((1024, PADC), lambda i: (0, 0)),
            pl.BlockSpec((1024, 128), lambda i: (0, 0)),
        ],
        out_shape=[
            jax.ShapeDtypeStruct((1024, 128), jnp.float32),
            jax.ShapeDtypeStruct((1024, 128), jnp.int32),
            jax.ShapeDtypeStruct((1024, PADC), jnp.float32),
            jax.ShapeDtypeStruct((1024, 128), jnp.int32),
        ],
        scratch_shapes=[
            pltpu.VMEM((1024, BLK), jnp.float32),
            pltpu.VMEM((1024, 128), jnp.float32),
            pltpu.VMEM((1024, 128), jnp.int32),
            pltpu.VMEM((1024, 128), jnp.float32),
        ],
        interpret=interpret,
    )(shift, queries, keys_p, cls_p, samp, sp)
    tv, pidx, votes, pred = outs
    return pred[:, 0], votes[:, :NCLS], tv[:, :TOPK], pidx[:, :TOPK]


def kernel(queries, keys, db_classes, k):
    shift = (jnp.asarray(k) - 10).astype(jnp.float32).reshape(1, 1)
    return _run(queries, keys, db_classes, shift)

# --- scband reference (transcript-rebuilt; emitter-appended) ---
"""Pipeline reference for scband-atnlpmodel-26010321944674 (READ-ONLY COPY).

The authoritative reference and input builder live on the scoring server;
editing this copy changes nothing except your own understanding.
"""

import jax, jax.numpy as jnp
import numpy as np

NUM_CLASSES = 1000
EPS = 1e-8

def setup_inputs(seed: int = 0) -> dict:
    key = jax.random.key(seed)
    k1, k2, k3 = jax.random.split(key, 3)
    queries = jax.random.normal(k1, (1024, 128), dtype=jnp.float32)
    keys = jax.random.normal(k2, (100000, 128), dtype=jnp.float32)
    db_classes = jax.random.randint(k3, (100000,), 0, NUM_CLASSES, dtype=jnp.int64)
    return {"queries": queries, "keys": keys, "db_classes": db_classes, "k": 10}

def reference(queries, keys, db_classes, k):
    # ATNLP-style snapshot retrieval: compare normalised query snapshots against the
    # stored snapshot database via cosine similarity, retrieve top-k nearest snapshots,
    # gather their class targets, and accumulate class-vote activations.
    qn = queries / (jnp.linalg.norm(queries, axis=-1, keepdims=True) + EPS)
    kn = keys / (jnp.linalg.norm(keys, axis=-1, keepdims=True) + EPS)
    sim = qn @ kn.T                                   # (B, N)
    topk_vals, topk_idx = jax.lax.top_k(sim, 10)      # (B, k)
    topk_vals = topk_vals + (jnp.asarray(k) - 10).astype(sim.dtype)
    topk_classes = jnp.take(db_classes, topk_idx, axis=0)  # (B, k)
    B = queries.shape[0]
    rows = jnp.broadcast_to(jnp.arange(B)[:, None], topk_classes.shape)
    outputActivations = jnp.zeros((B, NUM_CLASSES), dtype=jnp.float32)
    outputActivations = outputActivations.at[rows, topk_classes].add(topk_vals)
    predictions = jnp.argmax(outputActivations, axis=-1)
    return predictions, outputActivations, topk_vals, topk_idx

if __name__ == "__main__":
    import jax
    _d = setup_inputs()
    print(jax.jit(kernel)(*tuple(_d.values())))

</pallas_src>

<mosaic_0001>
module attributes {stable_mosaic.version = 14 : i64} {
  func.func @_knn_kernel(%arg0: i32, %arg1: memref<1x1xf32, #tpu.memory_space<vmem>>, %arg2: memref<1024x128xf32, #tpu.memory_space<vmem>>, %arg3: memref<2048x128xf32, #tpu.memory_space<vmem>>, %arg4: memref<1x1x2048xi32, #tpu.memory_space<vmem>>, %arg5: memref<2048x128xf32, #tpu.memory_space<vmem>>, %arg6: memref<1x1x2048xi32, #tpu.memory_space<vmem>>, %arg7: memref<1024x128xf32, #tpu.memory_space<vmem>>, %arg8: memref<1024x128xi32, #tpu.memory_space<vmem>>, %arg9: memref<1024x1024xf32, #tpu.memory_space<vmem>>, %arg10: memref<1024x128xi32, #tpu.memory_space<vmem>>, %arg11: memref<1024x2048xf32, #tpu.memory_space<vmem>>, %arg12: memref<1024x128xf32, #tpu.memory_space<vmem>>, %arg13: memref<1024x128xi32, #tpu.memory_space<vmem>>, %arg14: memref<1024x128xf32, #tpu.memory_space<vmem>>) attributes {dimension_semantics = [#tpu.dimension_semantics<arbitrary>], iteration_bounds = array<i64: 49>, scalar_prefetch = 0 : i64, scratch_operands = 4 : i64, tpu.core_type = #tpu.core_type<tc>, window_params = [{pipeline_mode = #tpu.pipeline_mode<synchronous>, transform_indices = @transform_0, window_bounds = array<i64: 1, 1>}, {pipeline_mode = #tpu.pipeline_mode<synchronous>, transform_indices = @transform_1, window_bounds = array<i64: 1024, 128>}, {transform_indices = @transform_2, window_bounds = array<i64: 2048, 128>}, {transform_indices = @transform_3, window_bounds = array<i64: 1, 1, 2048>}, {pipeline_mode = #tpu.pipeline_mode<synchronous>, transform_indices = @transform_4, window_bounds = array<i64: 2048, 128>}, {pipeline_mode = #tpu.pipeline_mode<synchronous>, transform_indices = @transform_5, window_bounds = array<i64: 1, 1, 2048>}, {pipeline_mode = #tpu.pipeline_mode<synchronous>, transform_indices = @transform_6, window_bounds = array<i64: 1024, 128>}, {pipeline_mode = #tpu.pipeline_mode<synchronous>, transform_indices = @transform_7, window_bounds = array<i64: 1024, 128>}, {pipeline_mode = #tpu.pipeline_mode<synchronous>, transform_indices = @transform_8, window_bounds = array<i64: 1024, 1024>}, {pipeline_mode = #tpu.pipeline_mode<synchronous>, transform_indices = @transform_9, window_bounds = array<i64: 1024, 128>}]} {
    %iota3A = tpu.iota {dimensions = array<i32: 1>} : vector<1024x128xi32>
    %get3A = arith.constant 0 : index
    %get3A_0 = arith.constant 0 : index
    %get3A_1 = vector.load %arg2[%get3A, %get3A_0] : memref<1024x128xf32, #tpu.memory_space<vmem>>, vector<1024x128xf32>
    %convert_element_type3A = arith.truncf %get3A_1 : vector<1024x128xf32> to vector<1024x128xbf16>
    %eq3A = arith.constant 0 : i32
    %eq3A_2 = arith.cmpi eq, %arg0, %eq3A : i32
    %convert_element_type3A_3 = arith.extui %eq3A_2 : i1 to i32
    %cond3A = arith.constant 2147483647 : i32
    %cond3A_4 = arith.constant 0 : i32
    %cond3A_5 = arith.cmpi ne, %convert_element_type3A_3, %cond3A_4 : i32
    scf.if %cond3A_5 {
      %broadcast_in_dim3A_45 = arith.constant 0xFF800000 : f32
      %broadcast_in_dim3A_46 = vector.broadcast %broadcast_in_dim3A_45 : f32 to vector<1024x128xf32>
      %swap3A_47 = arith.constant 0 : index
      %swap3A_48 = arith.constant 0 : index
      %swap3A_49 = vector.load %arg12[%swap3A_47, %swap3A_48] : memref<1024x128xf32, #tpu.memory_space<vmem>>, vector<1024x128xf32>
      tpu.vector_store %arg12[%swap3A_47, %swap3A_48], %broadcast_in_dim3A_46 {strides = array<i32>} : memref<1024x128xf32, #tpu.memory_space<vmem>>, vector<1024x128xf32>,
      %broadcast_in_dim3A_50 = arith.constant -1 : i32
      %broadcast_in_dim3A_51 = vector.broadcast %broadcast_in_dim3A_50 : i32 to vector<1024x128xi32>
      %swap3A_52 = arith.constant 0 : index
      %swap3A_53 = arith.constant 0 : index
      %swap3A_54 = vector.load %arg13[%swap3A_52, %swap3A_53] : memref<1024x128xi32, #tpu.memory_space<vmem>>, vector<1024x128xi32>
      tpu.vector_store %arg13[%swap3A_52, %swap3A_53], %broadcast_in_dim3A_51 {strides = array<i32>} : memref<1024x128xi32, #tpu.memory_space<vmem>>, vector<1024x128xi32>,
      %get3A_55 = arith.constant 0 : index
      %get3A_56 = arith.constant 0 : index
      %get3A_57 = vector.load %arg5[%get3A_55, %get3A_56] : memref<2048x128xf32, #tpu.memory_space<vmem>>, vector<2048x128xf32>
      %convert_element_type3A_58 = arith.truncf %get3A_57 : vector<2048x128xf32> to vector<2048x128xbf16>
      %dot_general3A_59 = arith.constant dense<0.000000e+00> : vector<1024x2048xf32>
      %dot_general3A_60 = tpu.matmul %convert_element_type3A, %convert_element_type3A_58, %dot_general3A_59 {dimension_numbers = #tpu.dot_dimension_numbers<[1], [1], [0], [0], [0, 0, 1, 0], [], []>, transpose_lhs_hint = false} : vector<1024x128xbf16>, vector<2048x128xbf16>, vector<1024x2048xf32> -> vector<1024x2048xf32>
      %get3A_61 = arith.constant 0 : index
      %get3A_62 = arith.constant 0 : index
      %get3A_63 = arith.constant 0 : index
      %get3A_64 = vector.load %arg6[%get3A_61, %get3A_62, %get3A_63] : memref<1x1x2048xi32, #tpu.memory_space<vmem>>, vector<1x1x2048xi32>
      %get3A_65 = vector.shape_cast %get3A_64 : vector<1x1x2048xi32> to vector<1x2048xi32>
      %ge3A = arith.constant 0 : i32
      %ge3A_66 = vector.broadcast %ge3A : i32 to vector<1x2048xi32>
      %ge3A_67 = arith.cmpi sge, %get3A_65, %ge3A_66 : vector<1x2048xi32>
      %jit3A_68 = arith.constant 0xFF800000 : f32
      %broadcast_in_dim3A_69 = vector.shape_cast %ge3A_67 : vector<1x2048xi1> to vector<1x2048xi1>
      %broadcast_in_dim3A_70 = vector.broadcast %broadcast_in_dim3A_69 : vector<1x2048xi1> to vector<1024x2048xi1>
      %broadcast_in_dim3A_71 = vector.broadcast %jit3A_68 : f32 to vector<1024x2048xf32>
      %select_n3A_72 = arith.select %broadcast_in_dim3A_70, %dot_general3A_60, %broadcast_in_dim3A_71 : vector<1024x2048xi1>, vector<1024x2048xf32>
      %swap3A_73 = arith.constant 0 : index
      %swap3A_74 = arith.constant 0 : index
      %swap3A_75 = vector.load %arg11[%swap3A_73, %swap3A_74] : memref<1024x2048xf32, #tpu.memory_space<vmem>>, vector<1024x2048xf32>
      tpu.vector_store %arg11[%swap3A_73, %swap3A_74], %select_n3A_72 {strides = array<i32>} : memref<1024x2048xf32, #tpu.memory_space<vmem>>, vector<1024x2048xf32>,
      %reduce_max3A_76 = arith.constant dense<0xFF800000> : vector<1024xf32>
      %reduce_max3A_77 = vector.multi_reduction <maximumf>, %select_n3A_72, %reduce_max3A_76 [1] : vector<1024x2048xf32> to vector<1024xf32>
      %broadcast_in_dim3A_78 = vector.shape_cast %reduce_max3A_77 : vector<1024xf32> to vector<1024x1xf32>
      %broadcast_in_dim3A_79 = vector.shape_cast %broadcast_in_dim3A_78 : vector<1024x1xf32> to vector<1024x1xf32>
      %broadcast_in_dim3A_80 = vector.broadcast %broadcast_in_dim3A_79 : vector<1024x1xf32> to vector<1024x128xf32>
      %swap3A_81 = arith.constant 0 : index
      %swap3A_82 = arith.constant 0 : index
      %swap3A_83 = vector.load %arg14[%swap3A_81, %swap3A_82] : memref<1024x128xf32, #tpu.memory_space<vmem>>, vector<1024x128xf32>
      tpu.vector_store %arg14[%swap3A_81, %swap3A_82], %broadcast_in_dim3A_80 {strides = array<i32>} : memref<1024x128xf32, #tpu.memory_space<vmem>>, vector<1024x128xf32>,
      %while3A_84 = arith.constant 0 : i32
      %while3A_85 = arith.constant 1 : i32
      %while3A_86:2 = scf.while (%while3A_87 = %while3A_84, %while3A_88 = %while3A_85) : (i32, i32) -> (i32, i32) {
        %lt3A_89 = arith.constant 22 : i32
        %lt3A_90 = arith.cmpi slt, %while3A_87, %lt3A_89 : i32
        %gt3A = arith.constant 0 : i32
        %gt3A_91 = arith.cmpi sgt, %while3A_88, %gt3A : i32
        %and3A = arith.andi %lt3A_90, %gt3A_91 : i1
        scf.condition(%and3A) %while3A_87, %while3A_88 : i32, i32
      } do {
      ^bb0(%while3A_87: i32, %while3A_88: i32):
        %get3A_89 = arith.constant 0 : index
        %get3A_90 = arith.constant 0 : index
        %get3A_91 = vector.load %arg14[%get3A_89, %get3A_90] : memref<1024x128xf32, #tpu.memory_space<vmem>>, vector<1024x128xf32>
        %reduce_max3A_92 = arith.constant dense<0xFF800000> : vector<1024xf32>
        %reduce_max3A_93 = vector.multi_reduction <maximumf>, %get3A_91, %reduce_max3A_92 [1] : vector<1024x128xf32> to vector<1024xf32>
        %broadcast_in_dim3A_94 = vector.shape_cast %reduce_max3A_93 : vector<1024xf32> to vector<1024x1xf32>
        %lt3A_95 = arith.constant 10 : i32
        %lt3A_96 = vector.broadcast %lt3A_95 : i32 to vector<1024x128xi32>
        %lt3A_97 = arith.cmpi slt, %iota3A, %lt3A_96 : vector<1024x128xi32>
        %get3A_98 = arith.constant 0 : index
        %get3A_99 = arith.constant 0 : index
        %get3A_100 = vector.load %arg12[%get3A_98, %get3A_99] : memref<1024x128xf32, #tpu.memory_space<vmem>>, vector<1024x128xf32>
        %jit3A_101 = arith.constant 0x7F800000 : f32
        %broadcast_in_dim3A_102 = vector.broadcast %jit3A_101 : f32 to vector<1024x128xf32>
        %select_n3A_103 = arith.select %lt3A_97, %get3A_100, %broadcast_in_dim3A_102 : vector<1024x128xi1>, vector<1024x128xf32>
        %reduce_min3A = arith.constant dense<0x7F800000> : vector<1024xf32>
        %reduce_min3A_104 = vector.multi_reduction <minimumf>, %select_n3A_103, %reduce_min3A [1] : vector<1024x128xf32> to vector<1024xf32>
        %broadcast_in_dim3A_105 = vector.shape_cast %reduce_min3A_104 : vector<1024xf32> to vector<1024x1xf32>
        %ge3A_106 = arith.cmpf oge, %broadcast_in_dim3A_94, %broadcast_in_dim3A_105 : vector<1024x1xf32>
        %broadcast_in_dim3A_107 = vector.shape_cast %ge3A_106 : vector<1024x1xi1> to vector<1024x1xi1>
        %broadcast_in_dim3A_108 = vector.broadcast %broadcast_in_dim3A_107 : vector<1024x1xi1> to vector<1024x128xi1>
        %convert_element_type3A_109 = arith.extui %broadcast_in_dim3A_108 : vector<1024x128xi1> to vector<1024x128xi32>
        %reduce_sum3A = vector.shape_cast %convert_element_type3A_109 : vector<1024x128xi32> to vector<1x1024x128xi32>
        %reduce_sum3A_110 = arith.constant dense<0> : vector<1xi32>
        %reduce_sum3A_111 = vector.multi_reduction <add>, %reduce_sum3A, %reduce_sum3A_110 [1, 2] : vector<1x1024x128xi32> to vector<1xi32>
        %reduce_sum3A_112 = vector.shape_cast %reduce_sum3A_111 : vector<1xi32> to vector<1x1x1xi32>
        %reduce_sum3A_113 = vector.extract %reduce_sum3A_112[0, 0, 0] : i32 from vector<1x1x1xi32>
        %gt3A = arith.constant 0 : i32
        %gt3A_114 = arith.cmpi sgt, %reduce_sum3A_113, %gt3A : i32
        %convert_element_type3A_115 = arith.extui %gt3A_114 : i1 to i32
        %cond3A_116 = arith.constant 0 : i32
        %cond3A_117 = arith.cmpi ne, %convert_element_type3A_115, %cond3A_116 : i32
        scf.if %cond3A_117 {
          %get3A_120 = arith.constant 0 : index
          %get3A_121 = arith.constant 0 : index
          %get3A_122 = vector.load %arg11[%get3A_120, %get3A_121] : memref<1024x2048xf32, #tpu.memory_space<vmem>>, vector<1024x2048xf32>
          %eq3A_123 = vector.broadcast %broadcast_in_dim3A_94 : vector<1024x1xf32> to vector<1024x2048xf32>
          %eq3A_124 = arith.cmpf oeq, %get3A_122, %eq3A_123 : vector<1024x2048xf32>
          %broadcast_in_dim3A_125 = vector.shape_cast %get3A_65 : vector<1x2048xi32> to vector<1x2048xi32>
          %broadcast_in_dim3A_126 = vector.broadcast %broadcast_in_dim3A_125 : vector<1x2048xi32> to vector<1024x2048xi32>
          %broadcast_in_dim3A_127 = vector.broadcast %cond3A : i32 to vector<1024x2048xi32>
          %select_n3A_128 = arith.select %eq3A_124, %broadcast_in_dim3A_126, %broadcast_in_dim3A_127 : vector<1024x2048xi1>, vector<1024x2048xi32>
          %reduce_min3A_129 = arith.constant dense<2147483647> : vector<1024xi32>
          %reduce_min3A_130 = vector.multi_reduction <minsi>, %select_n3A_128, %reduce_min3A_129 [1] : vector<1024x2048xi32> to vector<1024xi32>
          %broadcast_in_dim3A_131 = vector.shape_cast %reduce_min3A_130 : vector<1024xi32> to vector<1024x1xi32>
          %eq3A_132 = vector.broadcast %get3A_65 : vector<1x2048xi32> to vector<1024x2048xi32>
          %eq3A_133 = vector.broadcast %broadcast_in_dim3A_131 : vector<1024x1xi32> to vector<1024x2048xi32>
          %eq3A_134 = arith.cmpi eq, %eq3A_132, %eq3A_133 : vector<1024x2048xi32>
          %jit3A_135 = arith.constant 0xFF800000 : f32
          %broadcast_in_dim3A_136 = vector.broadcast %jit3A_135 : f32 to vector<1024x2048xf32>
          %select_n3A_137 = arith.select %eq3A_134, %broadcast_in_dim3A_136, %get3A_122 : vector<1024x2048xi1>, vector<1024x2048xf32>
          %swap3A_138 = arith.constant 0 : index
          %swap3A_139 = arith.constant 0 : index
          %swap3A_140 = vector.load %arg11[%swap3A_138, %swap3A_139] : memref<1024x2048xf32, #tpu.memory_space<vmem>>, vector<1024x2048xf32>
          tpu.vector_store %arg11[%swap3A_138, %swap3A_139], %select_n3A_137 {strides = array<i32>} : memref<1024x2048xf32, #tpu.memory_space<vmem>>, vector<1024x2048xf32>,
          %get3A_141 = arith.constant 0 : index
          %get3A_142 = arith.constant 0 : index
          %get3A_143 = vector.load %arg12[%get3A_141, %get3A_142] : memref<1024x128xf32, #tpu.memory_space<vmem>>, vector<1024x128xf32>
          %get3A_144 = arith.constant 0 : index
          %get3A_145 = arith.constant 0 : index
          %get3A_146 = vector.load %arg13[%get3A_144, %get3A_145] : memref<1024x128xi32, #tpu.memory_space<vmem>>, vector<1024x128xi32>
          %eq3A_147 = vector.broadcast %broadcast_in_dim3A_131 : vector<1024x1xi32> to vector<1024x128xi32>
          %eq3A_148 = arith.cmpi eq, %get3A_146, %eq3A_147 : vector<1024x128xi32>
          %convert_element_type3A_149 = arith.extui %eq3A_148 : vector<1024x128xi1> to vector<1024x128xi32>
          %reduce_sum3A_150 = arith.constant dense<0> : vector<1024xi32>
          %reduce_sum3A_151 = vector.multi_reduction <add>, %convert_element_type3A_149, %reduce_sum3A_150 [1] : vector<1024x128xi32> to vector<1024xi32>
          %broadcast_in_dim3A_152 = vector.shape_cast %reduce_sum3A_151 : vector<1024xi32> to vector<1024x1xi32>
          %gt3A_153 = arith.constant 0 : i32
          %gt3A_154 = vector.broadcast %gt3A_153 : i32 to vector<1024x1xi32>
          %gt3A_155 = arith.cmpi sgt, %broadcast_in_dim3A_152, %gt3A_154 : vector<1024x1xi32>
          %gt3A_156 = vector.broadcast %broadcast_in_dim3A_94 : vector<1024x1xf32> to vector<1024x128xf32>
          %gt3A_157 = arith.cmpf ogt, %get3A_143, %gt3A_156 : vector<1024x128xf32>
          %eq3A_158 = vector.broadcast %broadcast_in_dim3A_94 : vector<1024x1xf32> to vector<1024x128xf32>
          %eq3A_159 = arith.cmpf oeq, %get3A_143, %eq3A_158 : vector<1024x128xf32>
          %lt3A_160 = vector.broadcast %broadcast_in_dim3A_131 : vector<1024x1xi32> to vector<1024x128xi32>
          %lt3A_161 = arith.cmpi slt, %get3A_146, %lt3A_160 : vector<1024x128xi32>
          %and3A = arith.andi %eq3A_159, %lt3A_161 : vector<1024x128xi1>
          %or3A = arith.ori %gt3A_157, %and3A : vector<1024x128xi1>
          %convert_element_type3A_162 = arith.extui %or3A : vector<1024x128xi1> to vector<1024x128xi32>
          %reduce_sum3A_163 = arith.constant dense<0> : vector<1024xi32>
          %reduce_sum3A_164 = vector.multi_reduction <add>, %convert_element_type3A_162, %reduce_sum3A_163 [1] : vector<1024x128xi32> to vector<1024xi32>
          %broadcast_in_dim3A_165 = vector.shape_cast %reduce_sum3A_164 : vector<1024xi32> to vector<1024x1xi32>
          %lt3A_166 = arith.constant 10 : i32
          %lt3A_167 = vector.broadcast %lt3A_166 : i32 to vector<1024x1xi32>
          %lt3A_168 = arith.cmpi slt, %broadcast_in_dim3A_165, %lt3A_167 : vector<1024x1xi32>
          %not3A = arith.constant dense<true> : vector<1024x1xi1>
          %not3A_169 = arith.xori %gt3A_155, %not3A : vector<1024x1xi1>
          %and3A_170 = arith.andi %ge3A_106, %not3A_169 : vector<1024x1xi1>
          %and3A_171 = arith.andi %and3A_170, %lt3A_168 : vector<1024x1xi1>
          %not3A_172 = arith.constant dense<true> : vector<1024x1xi1>
          %not3A_173 = arith.xori %gt3A_155, %not3A_172 : vector<1024x1xi1>
          %and3A_174 = arith.andi %ge3A_106, %not3A_173 : vector<1024x1xi1>
          %not3A_175 = arith.constant dense<true> : vector<1024x1xi1>
          %not3A_176 = arith.xori %lt3A_168, %not3A_175 : vector<1024x1xi1>
          %and3A_177 = arith.andi %and3A_174, %not3A_176 : vector<1024x1xi1>
          %broadcast_in_dim3A_178 = vector.shape_cast %and3A_177 : vector<1024x1xi1> to vector<1024x1xi1>
          %broadcast_in_dim3A_179 = vector.broadcast %broadcast_in_dim3A_178 : vector<1024x1xi1> to vector<1024x128xi1>
          %reduce_max3A_180 = arith.constant dense<0xFF800000> : vector<1024xf32>
          %reduce_max3A_181 = vector.multi_reduction <maximumf>, %select_n3A_137, %reduce_max3A_180 [1] : vector<1024x2048xf32> to vector<1024xf32>
          %broadcast_in_dim3A_182 = vector.shape_cast %reduce_max3A_181 : vector<1024xf32> to vector<1024x1xf32>
          %broadcast_in_dim3A_183 = vector.shape_cast %broadcast_in_dim3A_182 : vector<1024x1xf32> to vector<1024x1xf32>
          %broadcast_in_dim3A_184 = vector.broadcast %broadcast_in_dim3A_183 : vector<1024x1xf32> to vector<1024x128xf32>
          %jit3A_185 = arith.constant 0xFF800000 : f32
          %broadcast_in_dim3A_186 = vector.broadcast %jit3A_185 : f32 to vector<1024x128xf32>
          %select_n3A_187 = arith.select %broadcast_in_dim3A_179, %broadcast_in_dim3A_186, %broadcast_in_dim3A_184 : vector<1024x128xi1>, vector<1024x128xf32>
          %swap3A_188 = arith.constant 0 : index
          %swap3A_189 = arith.constant 0 : index
          %swap3A_190 = vector.load %arg14[%swap3A_188, %swap3A_189] : memref<1024x128xf32, #tpu.memory_space<vmem>>, vector<1024x128xf32>
          tpu.vector_store %arg14[%swap3A_188, %swap3A_189], %select_n3A_187 {strides = array<i32>} : memref<1024x128xf32, #tpu.memory_space<vmem>>, vector<1024x128xf32>,
          %slice3A = vector.extract_strided_slice %get3A_143 {offsets = [0, 0], sizes = [1024, 1], strides = [1, 1]} : vector<1024x128xf32> to vector<1024x1xf32>
          %slice3A_191 = vector.extract_strided_slice %get3A_143 {offsets = [0, 0], sizes = [1024, 127], strides = [1, 1]} : vector<1024x128xf32> to vector<1024x127xf32>
          %concatenate3A = tpu.concatenate %slice3A, %slice3A_191 in 1 : vector<1024x1xf32>, vector<1024x127xf32> -> vector<1024x128xf32>
          %slice3A_192 = vector.extract_strided_slice %get3A_146 {offsets = [0, 0], sizes = [1024, 1], strides = [1, 1]} : vector<1024x128xi32> to vector<1024x1xi32>
          %slice3A_193 = vector.extract_strided_slice %get3A_146 {offsets = [0, 0], sizes = [1024, 127], strides = [1, 1]} : vector<1024x128xi32> to vector<1024x127xi32>
          %concatenate3A_194 = tpu.concatenate %slice3A_192, %slice3A_193 in 1 : vector<1024x1xi32>, vector<1024x127xi32> -> vector<1024x128xi32>
          %lt3A_195 = vector.broadcast %broadcast_in_dim3A_165 : vector<1024x1xi32> to vector<1024x128xi32>
          %lt3A_196 = arith.cmpi slt, %iota3A, %lt3A_195 : vector<1024x128xi32>
          %eq3A_197 = vector.broadcast %broadcast_in_dim3A_165 : vector<1024x1xi32> to vector<1024x128xi32>
          %eq3A_198 = arith.cmpi eq, %iota3A, %eq3A_197 : vector<1024x128xi32>
          %broadcast_in_dim3A_199 = vector.shape_cast %broadcast_in_dim3A_94 : vector<1024x1xf32> to vector<1024x1xf32>
          %broadcast_in_dim3A_200 = vector.broadcast %broadcast_in_dim3A_199 : vector<1024x1xf32> to vector<1024x128xf32>
          %select_n3A_201 = arith.select %eq3A_198, %broadcast_in_dim3A_200, %concatenate3A : vector<1024x128xi1>, vector<1024x128xf32>
          %select_n3A_202 = arith.select %lt3A_196, %get3A_143, %select_n3A_201 : vector<1024x128xi1>, vector<1024x128xf32>
          %lt3A_203 = vector.broadcast %broadcast_in_dim3A_165 : vector<1024x1xi32> to vector<1024x128xi32>
          %lt3A_204 = arith.cmpi slt, %iota3A, %lt3A_203 : vector<1024x128xi32>
          %eq3A_205 = vector.broadcast %broadcast_in_dim3A_165 : vector<1024x1xi32> to vector<1024x128xi32>
          %eq3A_206 = arith.cmpi eq, %iota3A, %eq3A_205 : vector<1024x128xi32>
          %broadcast_in_dim3A_207 = vector.shape_cast %broadcast_in_dim3A_131 : vector<1024x1xi32> to vector<1024x1xi32>
          %broadcast_in_dim3A_208 = vector.broadcast %broadcast_in_dim3A_207 : vector<1024x1xi32> to vector<1024x128xi32>
          %select_n3A_209 = arith.select %eq3A_206, %broadcast_in_dim3A_208, %concatenate3A_194 : vector<1024x128xi1>, vector<1024x128xi32>
          %select_n3A_210 = arith.select %lt3A_204, %get3A_146, %select_n3A_209 : vector<1024x128xi1>, vector<1024x128xi32>
          %broadcast_in_dim3A_211 = vector.shape_cast %and3A_171 : vector<1024x1xi1> to vector<1024x1xi1>
          %broadcast_in_dim3A_212 = vector.broadcast %broadcast_in_dim3A_211 : vector<1024x1xi1> to vector<1024x128xi1>
          %select_n3A_213 = arith.select %broadcast_in_dim3A_212, %select_n3A_202, %get3A_143 : vector<1024x128xi1>, vector<1024x128xf32>
          %swap3A_214 = arith.constant 0 : index
          %swap3A_215 = arith.constant 0 : index
          %swap3A_216 = vector.load %arg12[%swap3A_214, %swap3A_215] : memref<1024x128xf32, #tpu.memory_space<vmem>>, vector<1024x128xf32>
          tpu.vector_store %arg12[%swap3A_214, %swap3A_215], %select_n3A_213 {strides = array<i32>} : memref<1024x128xf32, #tpu.memory_space<vmem>>, vector<1024x128xf32>,
          %broadcast_in_dim3A_217 = vector.shape_cast %and3A_171 : vector<1024x1xi1> to vector<1024x1xi1>
          %broadcast_in_dim3A_218 = vector.broadcast %broadcast_in_dim3A_217 : vector<1024x1xi1> to vector<1024x128xi1>
          %select_n3A_219 = arith.select %broadcast_in_dim3A_218, %select_n3A_210, %get3A_146 : vector<1024x128xi1>, vector<1024x128xi32>
          %swap3A_220 = arith.constant 0 : index
          %swap3A_221 = arith.constant 0 : index
          %swap3A_222 = vector.load %arg13[%swap3A_220, %swap3A_221] : memref<1024x128xi32, #tpu.memory_space<vmem>>, vector<1024x128xi32>
          tpu.vector_store %arg13[%swap3A_220, %swap3A_221], %select_n3A_219 {strides = array<i32>} : memref<1024x128xi32, #tpu.memory_space<vmem>>, vector<1024x128xi32>,
        } else {
        }
        %add3A_118 = arith.constant 1 : i32
        %add3A_119 = arith.addi %while3A_87, %add3A_118 : i32
        scf.yield %add3A_119, %reduce_sum3A_113 : i32, i32
      }
    } else {
    }
    %get3A_6 = arith.constant 0 : index
    %get3A_7 = arith.constant 0 : index
    %get3A_8 = vector.load %arg3[%get3A_6, %get3A_7] : memref<2048x128xf32, #tpu.memory_space<vmem>>, vector<2048x128xf32>
    %convert_element_type3A_9 = arith.truncf %get3A_8 : vector<2048x128xf32> to vector<2048x128xbf16>
    %dot_general3A = arith.constant dense<0.000000e+00> : vector<1024x2048xf32>
    %dot_general3A_10 = tpu.matmul %convert_element_type3A, %convert_element_type3A_9, %dot_general3A {dimension_numbers = #tpu.dot_dimension_numbers<[1], [1], [0], [0], [0, 0, 1, 0], [], []>, transpose_lhs_hint = false} : vector<1024x128xbf16>, vector<2048x128xbf16>, vector<1024x2048xf32> -> vector<1024x2048xf32>
    %mul3A = arith.constant 2048 : i32
    %mul3A_11 = arith.muli %arg0, %mul3A : i32
    %iota3A_12 = tpu.iota {dimensions = array<i32: 1>} : vector<1x2048xi32>
    %add3A = vector.broadcast %mul3A_11 : i32 to vector<1x2048xi32>
    %add3A_13 = arith.addi %add3A, %iota3A_12 : vector<1x2048xi32>
    %get3A_14 = arith.constant 0 : index
    %get3A_15 = arith.constant 0 : index
    %get3A_16 = arith.constant 0 : index
    %get3A_17 = vector.load %arg4[%get3A_14, %get3A_15, %get3A_16] : memref<1x1x2048xi32, #tpu.memory_space<vmem>>, vector<1x1x2048xi32>
    %get3A_18 = vector.shape_cast %get3A_17 : vector<1x1x2048xi32> to vector<1x2048xi32>
    %mul3A_19 = arith.constant 1024 : i32
    %mul3A_20 = vector.broadcast %mul3A_19 : i32 to vector<1x2048xi32>
    %mul3A_21 = arith.muli %add3A_13, %mul3A_20 : vector<1x2048xi32>
    %add3A_22 = arith.addi %mul3A_21, %get3A_18 : vector<1x2048xi32>
    %lt3A = arith.constant 100000 : i32
    %lt3A_23 = vector.broadcast %lt3A : i32 to vector<1x2048xi32>
    %lt3A_24 = arith.cmpi slt, %add3A_13, %lt3A_23 : vector<1x2048xi32>
    %jit3A = arith.constant 0xFF800000 : f32
    %broadcast_in_dim3A = vector.shape_cast %lt3A_24 : vector<1x2048xi1> to vector<1x2048xi1>
    %broadcast_in_dim3A_25 = vector.broadcast %broadcast_in_dim3A : vector<1x2048xi1> to vector<1024x2048xi1>
    %broadcast_in_dim3A_26 = vector.broadcast %jit3A : f32 to vector<1024x2048xf32>
    %select_n3A = arith.select %broadcast_in_dim3A_25, %dot_general3A_10, %broadcast_in_dim3A_26 : vector<1024x2048xi1>, vector<1024x2048xf32>
    %swap3A = arith.constant 0 : index
    %swap3A_27 = arith.constant 0 : index
    %swap3A_28 = vector.load %arg11[%swap3A, %swap3A_27] : memref<1024x2048xf32, #tpu.memory_space<vmem>>, vector<1024x2048xf32>
    tpu.vector_store %arg11[%swap3A, %swap3A_27], %select_n3A {strides = array<i32>} : memref<1024x2048xf32, #tpu.memory_space<vmem>>, vector<1024x2048xf32>,
    %reduce_max3A = arith.constant dense<0xFF800000> : vector<1024xf32>
    %reduce_max3A_29 = vector.multi_reduction <maximumf>, %select_n3A, %reduce_max3A [1] : vector<1024x2048xf32> to vector<1024xf32>
    %broadcast_in_dim3A_30 = vector.shape_cast %reduce_max3A_29 : vector<1024xf32> to vector<1024x1xf32>
    %broadcast_in_dim3A_31 = vector.shape_cast %broadcast_in_dim3A_30 : vector<1024x1xf32> to vector<1024x1xf32>
    %broadcast_in_dim3A_32 = vector.broadcast %broadcast_in_dim3A_31 : vector<1024x1xf32> to vector<1024x128xf32>
    %swap3A_33 = arith.constant 0 : index
    %swap3A_34 = arith.constant 0 : index
    %swap3A_35 = vector.load %arg14[%swap3A_33, %swap3A_34] : memref<1024x128xf32, #tpu.memory_space<vmem>>, vector<1024x128xf32>
    tpu.vector_store %arg14[%swap3A_33, %swap3A_34], %broadcast_in_dim3A_32 {strides = array<i32>} : memref<1024x128xf32, #tpu.memory_space<vmem>>, vector<1024x128xf32>,
    %while3A = arith.constant 2147483647 : i32
    %while3A_36 = arith.constant 0 : i32
    %while3A_37 = arith.constant 1 : i32
    %while3A_38:2 = scf.while (%while3A_45 = %while3A_36, %while3A_46 = %while3A_37) : (i32, i32) -> (i32, i32) {
      %lt3A_47 = arith.constant 22 : i32
      %lt3A_48 = arith.cmpi slt, %while3A_45, %lt3A_47 : i32
      %gt3A = arith.constant 0 : i32
      %gt3A_49 = arith.cmpi sgt, %while3A_46, %gt3A : i32
      %and3A = arith.andi %lt3A_48, %gt3A_49 : i1
      scf.condition(%and3A) %while3A_45, %while3A_46 : i32, i32
    } do {
    ^bb0(%while3A_45: i32, %while3A_46: i32):
      %get3A_47 = arith.constant 0 : index
      %get3A_48 = arith.constant 0 : index
      %get3A_49 = vector.load %arg14[%get3A_47, %get3A_48] : memref<1024x128xf32, #tpu.memory_space<vmem>>, vector<1024x128xf32>
      %reduce_max3A_50 = arith.constant dense<0xFF800000> : vector<1024xf32>
      %reduce_max3A_51 = vector.multi_reduction <maximumf>, %get3A_49, %reduce_max3A_50 [1] : vector<1024x128xf32> to vector<1024xf32>
      %broadcast_in_dim3A_52 = vector.shape_cast %reduce_max3A_51 : vector<1024xf32> to vector<1024x1xf32>
      %lt3A_53 = arith.constant 10 : i32
      %lt3A_54 = vector.broadcast %lt3A_53 : i32 to vector<1024x128xi32>
      %lt3A_55 = arith.cmpi slt, %iota3A, %lt3A_54 : vector<1024x128xi32>
      %get3A_56 = arith.constant 0 : index
      %get3A_57 = arith.constant 0 : index
      %get3A_58 = vector.load %arg12[%get3A_56, %get3A_57] : memref<1024x128xf32, #tpu.memory_space<vmem>>, vector<1024x128xf32>
      %jit3A_59 = arith.constant 0x7F800000 : f32
      %broadcast_in_dim3A_60 = vector.broadcast %jit3A_59 : f32 to vector<1024x128xf32>
      %select_n3A_61 = arith.select %lt3A_55, %get3A_58, %broadcast_in_dim3A_60 : vector<1024x128xi1>, vector<1024x128xf32>
      %reduce_min3A = arith.constant dense<0x7F800000> : vector<1024xf32>
      %reduce_min3A_62 = vector.multi_reduction <minimumf>, %select_n3A_61, %reduce_min3A [1] : vector<1024x128xf32> to vector<1024xf32>
      %broadcast_in_dim3A_63 = vector.shape_cast %reduce_min3A_62 : vector<1024xf32> to vector<1024x1xf32>
      %ge3A = arith.cmpf oge, %broadcast_in_dim3A_52, %broadcast_in_dim3A_63 : vector<1024x1xf32>
      %broadcast_in_dim3A_64 = vector.shape_cast %ge3A : vector<1024x1xi1> to vector<1024x1xi1>
      %broadcast_in_dim3A_65 = vector.broadcast %broadcast_in_dim3A_64 : vector<1024x1xi1> to vector<1024x128xi1>
      %convert_element_type3A_66 = arith.extui %broadcast_in_dim3A_65 : vector<1024x128xi1> to vector<1024x128xi32>
      %reduce_sum3A = vector.shape_cast %convert_element_type3A_66 : vector<1024x128xi32> to vector<1x1024x128xi32>
      %reduce_sum3A_67 = arith.constant dense<0> : vector<1xi32>
      %reduce_sum3A_68 = vector.multi_reduction <add>, %reduce_sum3A, %reduce_sum3A_67 [1, 2] : vector<1x1024x128xi32> to vector<1xi32>
      %reduce_sum3A_69 = vector.shape_cast %reduce_sum3A_68 : vector<1xi32> to vector<1x1x1xi32>
      %reduce_sum3A_70 = vector.extract %reduce_sum3A_69[0, 0, 0] : i32 from vector<1x1x1xi32>
      %gt3A = arith.constant 0 : i32
      %gt3A_71 = arith.cmpi sgt, %reduce_sum3A_70, %gt3A : i32
      %convert_element_type3A_72 = arith.extui %gt3A_71 : i1 to i32
      %cond3A_73 = arith.constant 0 : i32
      %cond3A_74 = arith.cmpi ne, %convert_element_type3A_72, %cond3A_73 : i32
      scf.if %cond3A_74 {
        %get3A_77 = arith.constant 0 : index
        %get3A_78 = arith.constant 0 : index
        %get3A_79 = vector.load %arg11[%get3A_77, %get3A_78] : memref<1024x2048xf32, #tpu.memory_space<vmem>>, vector<1024x2048xf32>
        %eq3A_80 = vector.broadcast %broadcast_in_dim3A_52 : vector<1024x1xf32> to vector<1024x2048xf32>
        %eq3A_81 = arith.cmpf oeq, %get3A_79, %eq3A_80 : vector<1024x2048xf32>
        %broadcast_in_dim3A_82 = vector.shape_cast %add3A_22 : vector<1x2048xi32> to vector<1x2048xi32>
        %broadcast_in_dim3A_83 = vector.broadcast %broadcast_in_dim3A_82 : vector<1x2048xi32> to vector<1024x2048xi32>
        %broadcast_in_dim3A_84 = vector.broadcast %while3A : i32 to vector<1024x2048xi32>
        %select_n3A_85 = arith.select %eq3A_81, %broadcast_in_dim3A_83, %broadcast_in_dim3A_84 : vector<1024x2048xi1>, vector<1024x2048xi32>
        %reduce_min3A_86 = arith.constant dense<2147483647> : vector<1024xi32>
        %reduce_min3A_87 = vector.multi_reduction <minsi>, %select_n3A_85, %reduce_min3A_86 [1] : vector<1024x2048xi32> to vector<1024xi32>
        %broadcast_in_dim3A_88 = vector.shape_cast %reduce_min3A_87 : vector<1024xi32> to vector<1024x1xi32>
        %eq3A_89 = vector.broadcast %add3A_22 : vector<1x2048xi32> to vector<1024x2048xi32>
        %eq3A_90 = vector.broadcast %broadcast_in_dim3A_88 : vector<1024x1xi32> to vector<1024x2048xi32>
        %eq3A_91 = arith.cmpi eq, %eq3A_89, %eq3A_90 : vector<1024x2048xi32>
        %jit3A_92 = arith.constant 0xFF800000 : f32
        %broadcast_in_dim3A_93 = vector.broadcast %jit3A_92 : f32 to vector<1024x2048xf32>
        %select_n3A_94 = arith.select %eq3A_91, %broadcast_in_dim3A_93, %get3A_79 : vector<1024x2048xi1>, vector<1024x2048xf32>
        %swap3A_95 = arith.constant 0 : index
        %swap3A_96 = arith.constant 0 : index
        %swap3A_97 = vector.load %arg11[%swap3A_95, %swap3A_96] : memref<1024x2048xf32, #tpu.memory_space<vmem>>, vector<1024x2048xf32>
        tpu.vector_store %arg11[%swap3A_95, %swap3A_96], %select_n3A_94 {strides = array<i32>} : memref<1024x2048xf32, #tpu.memory_space<vmem>>, vector<1024x2048xf32>,
        %get3A_98 = arith.constant 0 : index
        %get3A_99 = arith.constant 0 : index
        %get3A_100 = vector.load %arg12[%get3A_98, %get3A_99] : memref<1024x128xf32, #tpu.memory_space<vmem>>, vector<1024x128xf32>
        %get3A_101 = arith.constant 0 : index
        %get3A_102 = arith.constant 0 : index
        %get3A_103 = vector.load %arg13[%get3A_101, %get3A_102] : memref<1024x128xi32, #tpu.memory_space<vmem>>, vector<1024x128xi32>
        %eq3A_104 = vector.broadcast %broadcast_in_dim3A_88 : vector<1024x1xi32> to vector<1024x128xi32>
        %eq3A_105 = arith.cmpi eq, %get3A_103, %eq3A_104 : vector<1024x128xi32>
        %convert_element_type3A_106 = arith.extui %eq3A_105 : vector<1024x128xi1> to vector<1024x128xi32>
        %reduce_sum3A_107 = arith.constant dense<0> : vector<1024xi32>
        %reduce_sum3A_108 = vector.multi_reduction <add>, %convert_element_type3A_106, %reduce_sum3A_107 [1] : vector<1024x128xi32> to vector<1024xi32>
        %broadcast_in_dim3A_109 = vector.shape_cast %reduce_sum3A_108 : vector<1024xi32> to vector<1024x1xi32>
        %gt3A_110 = arith.constant 0 : i32
        %gt3A_111 = vector.broadcast %gt3A_110 : i32 to vector<1024x1xi32>
        %gt3A_112 = arith.cmpi sgt, %broadcast_in_dim3A_109, %gt3A_111 : vector<1024x1xi32>
        %gt3A_113 = vector.broadcast %broadcast_in_dim3A_52 : vector<1024x1xf32> to vector<1024x128xf32>
        %gt3A_114 = arith.cmpf ogt, %get3A_100, %gt3A_113 : vector<1024x128xf32>
        %eq3A_115 = vector.broadcast %broadcast_in_dim3A_52 : vector<1024x1xf32> to vector<1024x128xf32>
        %eq3A_116 = arith.cmpf oeq, %get3A_100, %eq3A_115 : vector<1024x128xf32>
        %lt3A_117 = vector.broadcast %broadcast_in_dim3A_88 : vector<1024x1xi32> to vector<1024x128xi32>
        %lt3A_118 = arith.cmpi slt, %get3A_103, %lt3A_117 : vector<1024x128xi32>
        %and3A = arith.andi %eq3A_116, %lt3A_118 : vector<1024x128xi1>
        %or3A = arith.ori %gt3A_114, %and3A : vector<1024x128xi1>
        %convert_element_type3A_119 = arith.extui %or3A : vector<1024x128xi1> to vector<1024x128xi32>
        %reduce_sum3A_120 = arith.constant dense<0> : vector<1024xi32>
        %reduce_sum3A_121 = vector.multi_reduction <add>, %convert_element_type3A_119, %reduce_sum3A_120 [1] : vector<1024x128xi32> to vector<1024xi32>
        %broadcast_in_dim3A_122 = vector.shape_cast %reduce_sum3A_121 : vector<1024xi32> to vector<1024x1xi32>
        %lt3A_123 = arith.constant 10 : i32
        %lt3A_124 = vector.broadcast %lt3A_123 : i32 to vector<1024x1xi32>
        %lt3A_125 = arith.cmpi slt, %broadcast_in_dim3A_122, %lt3A_124 : vector<1024x1xi32>
        %not3A = arith.constant dense<true> : vector<1024x1xi1>
        %not3A_126 = arith.xori %gt3A_112, %not3A : vector<1024x1xi1>
        %and3A_127 = arith.andi %ge3A, %not3A_126 : vector<1024x1xi1>
        %and3A_128 = arith.andi %and3A_127, %lt3A_125 : vector<1024x1xi1>
        %not3A_129 = arith.constant dense<true> : vector<1024x1xi1>
        %not3A_130 = arith.xori %gt3A_112, %not3A_129 : vector<1024x1xi1>
        %and3A_131 = arith.andi %ge3A, %not3A_130 : vector<1024x1xi1>
        %not3A_132 = arith.constant dense<true> : vector<1024x1xi1>
        %not3A_133 = arith.xori %lt3A_125, %not3A_132 : vector<1024x1xi1>
        %and3A_134 = arith.andi %and3A_131, %not3A_133 : vector<1024x1xi1>
        %broadcast_in_dim3A_135 = vector.shape_cast %and3A_134 : vector<1024x1xi1> to vector<1024x1xi1>
        %broadcast_in_dim3A_136 = vector.broadcast %broadcast_in_dim3A_135 : vector<1024x1xi1> to vector<1024x128xi1>
        %reduce_max3A_137 = arith.constant dense<0xFF800000> : vector<1024xf32>
        %reduce_max3A_138 = vector.multi_reduction <maximumf>, %select_n3A_94, %reduce_max3A_137 [1] : vector<1024x2048xf32> to vector<1024xf32>
        %broadcast_in_dim3A_139 = vector.shape_cast %reduce_max3A_138 : vector<1024xf32> to vector<1024x1xf32>
        %broadcast_in_dim3A_140 = vector.shape_cast %broadcast_in_dim3A_139 : vector<1024x1xf32> to vector<1024x1xf32>
        %broadcast_in_dim3A_141 = vector.broadcast %broadcast_in_dim3A_140 : vector<1024x1xf32> to vector<1024x128xf32>
        %jit3A_142 = arith.constant 0xFF800000 : f32
        %broadcast_in_dim3A_143 = vector.broadcast %jit3A_142 : f32 to vector<1024x128xf32>
        %select_n3A_144 = arith.select %broadcast_in_dim3A_136, %broadcast_in_dim3A_143, %broadcast_in_dim3A_141 : vector<1024x128xi1>, vector<1024x128xf32>
        %swap3A_145 = arith.constant 0 : index
        %swap3A_146 = arith.constant 0 : index
        %swap3A_147 = vector.load %arg14[%swap3A_145, %swap3A_146] : memref<1024x128xf32, #tpu.memory_space<vmem>>, vector<1024x128xf32>
        tpu.vector_store %arg14[%swap3A_145, %swap3A_146], %select_n3A_144 {strides = array<i32>} : memref<1024x128xf32, #tpu.memory_space<vmem>>, vector<1024x128xf32>,
        %slice3A = vector.extract_strided_slice %get3A_100 {offsets = [0, 0], sizes = [1024, 1], strides = [1, 1]} : vector<1024x128xf32> to vector<1024x1xf32>
        %slice3A_148 = vector.extract_strided_slice %get3A_100 {offsets = [0, 0], sizes = [1024, 127], strides = [1, 1]} : vector<1024x128xf32> to vector<1024x127xf32>
        %concatenate3A = tpu.concatenate %slice3A, %slice3A_148 in 1 : vector<1024x1xf32>, vector<1024x127xf32> -> vector<1024x128xf32>
        %slice3A_149 = vector.extract_strided_slice %get3A_103 {offsets = [0, 0], sizes = [1024, 1], strides = [1, 1]} : vector<1024x128xi32> to vector<1024x1xi32>
        %slice3A_150 = vector.extract_strided_slice %get3A_103 {offsets = [0, 0], sizes = [1024, 127], strides = [1, 1]} : vector<1024x128xi32> to vector<1024x127xi32>
        %concatenate3A_151 = tpu.concatenate %slice3A_149, %slice3A_150 in 1 : vector<1024x1xi32>, vector<1024x127xi32> -> vector<1024x128xi32>
        %lt3A_152 = vector.broadcast %broadcast_in_dim3A_122 : vector<1024x1xi32> to vector<1024x128xi32>
        %lt3A_153 = arith.cmpi slt, %iota3A, %lt3A_152 : vector<1024x128xi32>
        %eq3A_154 = vector.broadcast %broadcast_in_dim3A_122 : vector<1024x1xi32> to vector<1024x128xi32>
        %eq3A_155 = arith.cmpi eq, %iota3A, %eq3A_154 : vector<1024x128xi32>
        %broadcast_in_dim3A_156 = vector.shape_cast %broadcast_in_dim3A_52 : vector<1024x1xf32> to vector<1024x1xf32>
        %broadcast_in_dim3A_157 = vector.broadcast %broadcast_in_dim3A_156 : vector<1024x1xf32> to vector<1024x128xf32>
        %select_n3A_158 = arith.select %eq3A_155, %broadcast_in_dim3A_157, %concatenate3A : vector<1024x128xi1>, vector<1024x128xf32>
        %select_n3A_159 = arith.select %lt3A_153, %get3A_100, %select_n3A_158 : vector<1024x128xi1>, vector<1024x128xf32>
        %lt3A_160 = vector.broadcast %broadcast_in_dim3A_122 : vector<1024x1xi32> to vector<1024x128xi32>
        %lt3A_161 = arith.cmpi slt, %iota3A, %lt3A_160 : vector<1024x128xi32>
        %eq3A_162 = vector.broadcast %broadcast_in_dim3A_122 : vector<1024x1xi32> to vector<1024x128xi32>
        %eq3A_163 = arith.cmpi eq, %iota3A, %eq3A_162 : vector<1024x128xi32>
        %broadcast_in_dim3A_164 = vector.shape_cast %broadcast_in_dim3A_88 : vector<1024x1xi32> to vector<1024x1xi32>
        %broadcast_in_dim3A_165 = vector.broadcast %broadcast_in_dim3A_164 : vector<1024x1xi32> to vector<1024x128xi32>
        %select_n3A_166 = arith.select %eq3A_163, %broadcast_in_dim3A_165, %concatenate3A_151 : vector<1024x128xi1>, vector<1024x128xi32>
        %select_n3A_167 = arith.select %lt3A_161, %get3A_103, %select_n3A_166 : vector<1024x128xi1>, vector<1024x128xi32>
        %broadcast_in_dim3A_168 = vector.shape_cast %and3A_128 : vector<1024x1xi1> to vector<1024x1xi1>
        %broadcast_in_dim3A_169 = vector.broadcast %broadcast_in_dim3A_168 : vector<1024x1xi1> to vector<1024x128xi1>
        %select_n3A_170 = arith.select %broadcast_in_dim3A_169, %select_n3A_159, %get3A_100 : vector<1024x128xi1>, vector<1024x128xf32>
        %swap3A_171 = arith.constant 0 : index
        %swap3A_172 = arith.constant 0 : index
        %swap3A_173 = vector.load %arg12[%swap3A_171, %swap3A_172] : memref<1024x128xf32, #tpu.memory_space<vmem>>, vector<1024x128xf32>
        tpu.vector_store %arg12[%swap3A_171, %swap3A_172], %select_n3A_170 {strides = array<i32>} : memref<1024x128xf32, #tpu.memory_space<vmem>>, vector<1024x128xf32>,
        %broadcast_in_dim3A_174 = vector.shape_cast %and3A_128 : vector<1024x1xi1> to vector<1024x1xi1>
        %broadcast_in_dim3A_175 = vector.broadcast %broadcast_in_dim3A_174 : vector<1024x1xi1> to vector<1024x128xi1>
        %select_n3A_176 = arith.select %broadcast_in_dim3A_175, %select_n3A_167, %get3A_103 : vector<1024x128xi1>, vector<1024x128xi32>
        %swap3A_177 = arith.constant 0 : index
        %swap3A_178 = arith.constant 0 : index
        %swap3A_179 = vector.load %arg13[%swap3A_177, %swap3A_178] : memref<1024x128xi32, #tpu.memory_space<vmem>>, vector<1024x128xi32>
        tpu.vector_store %arg13[%swap3A_177, %swap3A_178], %select_n3A_176 {strides = array<i32>} : memref<1024x128xi32, #tpu.memory_space<vmem>>, vector<1024x128xi32>,
      } else {
      }
      %add3A_75 = arith.constant 1 : i32
      %add3A_76 = arith.addi %while3A_45, %add3A_75 : i32
      scf.yield %add3A_76, %reduce_sum3A_70 : i32, i32
    }
    %eq3A_39 = arith.constant 48 : i32
    %eq3A_40 = arith.cmpi eq, %arg0, %eq3A_39 : i32
    %convert_element_type3A_41 = arith.extui %eq3A_40 : i1 to i32
    %cond3A_42 = arith.constant 2147483647 : i32
    %cond3A_43 = arith.constant 0 : i32
    %cond3A_44 = arith.cmpi ne, %convert_element_type3A_41, %cond3A_43 : i32
    scf.if %cond3A_44 {
      %get3A_45 = arith.constant 0 : index
      %get3A_46 = arith.constant 0 : index
      %get3A_47 = vector.load %arg1[%get3A_45, %get3A_46] : memref<1x1xf32, #tpu.memory_space<vmem>>, vector<1x1xf32>
      %get3A_48 = vector.extract %get3A_47[0, 0] : f32 from vector<1x1xf32>
      %get3A_49 = arith.constant 0 : index
      %get3A_50 = arith.constant 0 : index
      %get3A_51 = vector.load %arg12[%get3A_49, %get3A_50] : memref<1024x128xf32, #tpu.memory_space<vmem>>, vector<1024x128xf32>
      %add3A_52 = vector.broadcast %get3A_48 : f32 to vector<1024x128xf32>
      %add3A_53 = arith.addf %get3A_51, %add3A_52 : vector<1024x128xf32>
      %get3A_54 = arith.constant 0 : index
      %get3A_55 = arith.constant 0 : index
      %get3A_56 = vector.load %arg13[%get3A_54, %get3A_55] : memref<1024x128xi32, #tpu.memory_space<vmem>>, vector<1024x128xi32>
      %swap3A_57 = arith.constant 0 : index
      %swap3A_58 = arith.constant 0 : index
      %swap3A_59 = vector.load %arg7[%swap3A_57, %swap3A_58] : memref<1024x128xf32, #tpu.memory_space<vmem>>, vector<1024x128xf32>
      tpu.vector_store %arg7[%swap3A_57, %swap3A_58], %add3A_53 {strides = array<i32>} : memref<1024x128xf32, #tpu.memory_space<vmem>>, vector<1024x128xf32>,
      %jit3A_60 = arith.constant 1024 : i32
      %div3A = vector.broadcast %jit3A_60 : i32 to vector<1024x128xi32>
      %div3A_61 = arith.divsi %get3A_56, %div3A : vector<1024x128xi32>
      %sign3A = arith.constant 0 : i32
      %sign3A_62 = vector.broadcast %sign3A : i32 to vector<1024x128xi32>
      %sign3A_63 = arith.cmpi sgt, %get3A_56, %sign3A_62 : vector<1024x128xi32>
      %sign3A_64 = arith.extui %sign3A_63 : vector<1024x128xi1> to vector<1024x128xi32>
      %sign3A_65 = arith.constant 0 : i32
      %sign3A_66 = vector.broadcast %sign3A_65 : i32 to vector<1024x128xi32>
      %sign3A_67 = arith.cmpi slt, %get3A_56, %sign3A_66 : vector<1024x128xi32>
      %sign3A_68 = arith.extui %sign3A_67 : vector<1024x128xi1> to vector<1024x128xi32>
      %sign3A_69 = arith.subi %sign3A_64, %sign3A_68 : vector<1024x128xi32>
      %sign3A_70 = arith.constant 0 : i32
      %sign3A_71 = arith.cmpi sgt, %jit3A_60, %sign3A_70 : i32
      %sign3A_72 = arith.extui %sign3A_71 : i1 to i32
      %sign3A_73 = arith.constant 0 : i32
      %sign3A_74 = arith.cmpi slt, %jit3A_60, %sign3A_73 : i32
      %sign3A_75 = arith.extui %sign3A_74 : i1 to i32
      %sign3A_76 = arith.subi %sign3A_72, %sign3A_75 : i32
      %ne3A = vector.broadcast %sign3A_76 : i32 to vector<1024x128xi32>
      %ne3A_77 = arith.cmpi ne, %sign3A_69, %ne3A : vector<1024x128xi32>
      %rem3A = vector.broadcast %jit3A_60 : i32 to vector<1024x128xi32>
      %rem3A_78 = arith.remsi %get3A_56, %rem3A : vector<1024x128xi32>
      %ne3A_79 = arith.constant 0 : i32
      %ne3A_80 = vector.broadcast %ne3A_79 : i32 to vector<1024x128xi32>
      %ne3A_81 = arith.cmpi ne, %rem3A_78, %ne3A_80 : vector<1024x128xi32>
      %and3A = arith.andi %ne3A_77, %ne3A_81 : vector<1024x128xi1>
      %sub3A = arith.constant 1 : i32
      %sub3A_82 = vector.broadcast %sub3A : i32 to vector<1024x128xi32>
      %sub3A_83 = arith.subi %div3A_61, %sub3A_82 : vector<1024x128xi32>
      %select_n3A_84 = arith.select %and3A, %sub3A_83, %div3A_61 : vector<1024x128xi1>, vector<1024x128xi32>
      %swap3A_85 = arith.constant 0 : index
      %swap3A_86 = arith.constant 0 : index
      %swap3A_87 = vector.load %arg8[%swap3A_85, %swap3A_86] : memref<1024x128xi32, #tpu.memory_space<vmem>>, vector<1024x128xi32>
      tpu.vector_store %arg8[%swap3A_85, %swap3A_86], %select_n3A_84 {strides = array<i32>} : memref<1024x128xi32, #tpu.memory_space<vmem>>, vector<1024x128xi32>,
      %and3A_88 = arith.constant 1023 : i32
      %and3A_89 = vector.broadcast %and3A_88 : i32 to vector<1024x128xi32>
      %and3A_90 = arith.andi %get3A_56, %and3A_89 : vector<1024x128xi32>
      %iota3A_91 = tpu.iota {dimensions = array<i32: 1>} : vector<1024x1024xi32>
      %lt3A_92 = arith.constant 1000 : i32
      %lt3A_93 = vector.broadcast %lt3A_92 : i32 to vector<1024x1024xi32>
      %lt3A_94 = arith.cmpi slt, %iota3A_91, %lt3A_93 : vector<1024x1024xi32>
      %jit3A_95 = arith.constant 0.000000e+00 : f32
      %jit3A_96 = arith.constant 0xFF800000 : f32
      %broadcast_in_dim3A_97 = vector.broadcast %jit3A_95 : f32 to vector<1024x1024xf32>
      %broadcast_in_dim3A_98 = vector.broadcast %jit3A_96 : f32 to vector<1024x1024xf32>
      %select_n3A_99 = arith.select %lt3A_94, %broadcast_in_dim3A_97, %broadcast_in_dim3A_98 : vector<1024x1024xi1>, vector<1024x1024xf32>
      %eq3A_100 = arith.constant 0 : i32
      %eq3A_101 = vector.broadcast %eq3A_100 : i32 to vector<1024x128xi32>
      %eq3A_102 = arith.cmpi eq, %iota3A, %eq3A_101 : vector<1024x128xi32>
      %jit3A_103 = arith.constant 0.000000e+00 : f32
      %broadcast_in_dim3A_104 = vector.broadcast %jit3A_103 : f32 to vector<1024x128xf32>
      %select_n3A_105 = arith.select %eq3A_102, %add3A_53, %broadcast_in_dim3A_104 : vector<1024x128xi1>, vector<1024x128xf32>
      %reduce_sum3A = arith.constant dense<0.000000e+00> : vector<1024xf32>
      %reduce_sum3A_106 = vector.multi_reduction <add>, %select_n3A_105, %reduce_sum3A [1] : vector<1024x128xf32> to vector<1024xf32>
      %broadcast_in_dim3A_107 = vector.shape_cast %reduce_sum3A_106 : vector<1024xf32> to vector<1024x1xf32>
      %eq3A_108 = arith.constant 0 : i32
      %eq3A_109 = vector.broadcast %eq3A_108 : i32 to vector<1024x128xi32>
      %eq3A_110 = arith.cmpi eq, %iota3A, %eq3A_109 : vector<1024x128xi32>
      %jit3A_111 = arith.constant 0 : i32
      %broadcast_in_dim3A_112 = vector.broadcast %jit3A_111 : i32 to vector<1024x128xi32>
      %select_n3A_113 = arith.select %eq3A_110, %and3A_90, %broadcast_in_dim3A_112 : vector<1024x128xi1>, vector<1024x128xi32>
      %reduce_sum3A_114 = arith.constant dense<0> : vector<1024xi32>
      %reduce_sum3A_115 = vector.multi_reduction <add>, %select_n3A_113, %reduce_sum3A_114 [1] : vector<1024x128xi32> to vector<1024xi32>
      %broadcast_in_dim3A_116 = vector.shape_cast %reduce_sum3A_115 : vector<1024xi32> to vector<1024x1xi32>
      %eq3A_117 = vector.broadcast %broadcast_in_dim3A_116 : vector<1024x1xi32> to vector<1024x1024xi32>
      %eq3A_118 = arith.cmpi eq, %iota3A_91, %eq3A_117 : vector<1024x1024xi32>
      %jit3A_119 = arith.constant 0.000000e+00 : f32
      %broadcast_in_dim3A_120 = vector.shape_cast %broadcast_in_dim3A_107 : vector<1024x1xf32> to vector<1024x1xf32>
      %broadcast_in_dim3A_121 = vector.broadcast %broadcast_in_dim3A_120 : vector<1024x1xf32> to vector<1024x1024xf32>
      %broadcast_in_dim3A_122 = vector.broadcast %jit3A_119 : f32 to vector<1024x1024xf32>
      %select_n3A_123 = arith.select %eq3A_118, %broadcast_in_dim3A_121, %broadcast_in_dim3A_122 : vector<1024x1024xi1>, vector<1024x1024xf32>
      %add3A_124 = arith.addf %select_n3A_99, %select_n3A_123 : vector<1024x1024xf32>
      %eq3A_125 = arith.constant 1 : i32
      %eq3A_126 = vector.broadcast %eq3A_125 : i32 to vector<1024x128xi32>
      %eq3A_127 = arith.cmpi eq, %iota3A, %eq3A_126 : vector<1024x128xi32>
      %jit3A_128 = arith.constant 0.000000e+00 : f32
      %broadcast_in_dim3A_129 = vector.broadcast %jit3A_128 : f32 to vector<1024x128xf32>
      %select_n3A_130 = arith.select %eq3A_127, %add3A_53, %broadcast_in_dim3A_129 : vector<1024x128xi1>, vector<1024x128xf32>
      %reduce_sum3A_131 = arith.constant dense<0.000000e+00> : vector<1024xf32>
      %reduce_sum3A_132 = vector.multi_reduction <add>, %select_n3A_130, %reduce_sum3A_131 [1] : vector<1024x128xf32> to vector<1024xf32>
      %broadcast_in_dim3A_133 = vector.shape_cast %reduce_sum3A_132 : vector<1024xf32> to vector<1024x1xf32>
      %eq3A_134 = arith.constant 1 : i32
      %eq3A_135 = vector.broadcast %eq3A_134 : i32 to vector<1024x128xi32>
      %eq3A_136 = arith.cmpi eq, %iota3A, %eq3A_135 : vector<1024x128xi32>
      %jit3A_137 = arith.constant 0 : i32
      %broadcast_in_dim3A_138 = vector.broadcast %jit3A_137 : i32 to vector<1024x128xi32>
      %select_n3A_139 = arith.select %eq3A_136, %and3A_90, %broadcast_in_dim3A_138 : vector<1024x128xi1>, vector<1024x128xi32>
      %reduce_sum3A_140 = arith.constant dense<0> : vector<1024xi32>
      %reduce_sum3A_141 = vector.multi_reduction <add>, %select_n3A_139, %reduce_sum3A_140 [1] : vector<1024x128xi32> to vector<1024xi32>
      %broadcast_in_dim3A_142 = vector.shape_cast %reduce_sum3A_141 : vector<1024xi32> to vector<1024x1xi32>
      %eq3A_143 = vector.broadcast %broadcast_in_dim3A_142 : vector<1024x1xi32> to vector<1024x1024xi32>
      %eq3A_144 = arith.cmpi eq, %iota3A_91, %eq3A_143 : vector<1024x1024xi32>
      %jit3A_145 = arith.constant 0.000000e+00 : f32
      %broadcast_in_dim3A_146 = vector.shape_cast %broadcast_in_dim3A_133 : vector<1024x1xf32> to vector<1024x1xf32>
      %broadcast_in_dim3A_147 = vector.broadcast %broadcast_in_dim3A_146 : vector<1024x1xf32> to vector<1024x1024xf32>
      %broadcast_in_dim3A_148 = vector.broadcast %jit3A_145 : f32 to vector<1024x1024xf32>
      %select_n3A_149 = arith.select %eq3A_144, %broadcast_in_dim3A_147, %broadcast_in_dim3A_148 : vector<1024x1024xi1>, vector<1024x1024xf32>
      %add3A_150 = arith.addf %add3A_124, %select_n3A_149 : vector<1024x1024xf32>
      %eq3A_151 = arith.constant 2 : i32
      %eq3A_152 = vector.broadcast %eq3A_151 : i32 to vector<1024x128xi32>
      %eq3A_153 = arith.cmpi eq, %iota3A, %eq3A_152 : vector<1024x128xi32>
      %jit3A_154 = arith.constant 0.000000e+00 : f32
      %broadcast_in_dim3A_155 = vector.broadcast %jit3A_154 : f32 to vector<1024x128xf32>
      %select_n3A_156 = arith.select %eq3A_153, %add3A_53, %broadcast_in_dim3A_155 : vector<1024x128xi1>, vector<1024x128xf32>
      %reduce_sum3A_157 = arith.constant dense<0.000000e+00> : vector<1024xf32>
      %reduce_sum3A_158 = vector.multi_reduction <add>, %select_n3A_156, %reduce_sum3A_157 [1] : vector<1024x128xf32> to vector<1024xf32>
      %broadcast_in_dim3A_159 = vector.shape_cast %reduce_sum3A_158 : vector<1024xf32> to vector<1024x1xf32>
      %eq3A_160 = arith.constant 2 : i32
      %eq3A_161 = vector.broadcast %eq3A_160 : i32 to vector<1024x128xi32>
      %eq3A_162 = arith.cmpi eq, %iota3A, %eq3A_161 : vector<1024x128xi32>
      %jit3A_163 = arith.constant 0 : i32
      %broadcast_in_dim3A_164 = vector.broadcast %jit3A_163 : i32 to vector<1024x128xi32>
      %select_n3A_165 = arith.select %eq3A_162, %and3A_90, %broadcast_in_dim3A_164 : vector<1024x128xi1>, vector<1024x128xi32>
      %reduce_sum3A_166 = arith.constant dense<0> : vector<1024xi32>
      %reduce_sum3A_167 = vector.multi_reduction <add>, %select_n3A_165, %reduce_sum3A_166 [1] : vector<1024x128xi32> to vector<1024xi32>
      %broadcast_in_dim3A_168 = vector.shape_cast %reduce_sum3A_167 : vector<1024xi32> to vector<1024x1xi32>
      %eq3A_169 = vector.broadcast %broadcast_in_dim3A_168 : vector<1024x1xi32> to vector<1024x1024xi32>
      %eq3A_170 = arith.cmpi eq, %iota3A_91, %eq3A_169 : vector<1024x1024xi32>
      %jit3A_171 = arith.constant 0.000000e+00 : f32
      %broadcast_in_dim3A_172 = vector.shape_cast %broadcast_in_dim3A_159 : vector<1024x1xf32> to vector<1024x1xf32>
      %broadcast_in_dim3A_173 = vector.broadcast %broadcast_in_dim3A_172 : vector<1024x1xf32> to vector<1024x1024xf32>
      %broadcast_in_dim3A_174 = vector.broadcast %jit3A_171 : f32 to vector<1024x1024xf32>
      %select_n3A_175 = arith.select %eq3A_170, %broadcast_in_dim3A_173, %broadcast_in_dim3A_174 : vector<1024x1024xi1>, vector<1024x1024xf32>
      %add3A_176 = arith.addf %add3A_150, %select_n3A_175 : vector<1024x1024xf32>
      %eq3A_177 = arith.constant 3 : i32
      %eq3A_178 = vector.broadcast %eq3A_177 : i32 to vector<1024x128xi32>
      %eq3A_179 = arith.cmpi eq, %iota3A, %eq3A_178 : vector<1024x128xi32>
      %jit3A_180 = arith.constant 0.000000e+00 : f32
      %broadcast_in_dim3A_181 = vector.broadcast %jit3A_180 : f32 to vector<1024x128xf32>
      %select_n3A_182 = arith.select %eq3A_179, %add3A_53, %broadcast_in_dim3A_181 : vector<1024x128xi1>, vector<1024x128xf32>
      %reduce_sum3A_183 = arith.constant dense<0.000000e+00> : vector<1024xf32>
      %reduce_sum3A_184 = vector.multi_reduction <add>, %select_n3A_182, %reduce_sum3A_183 [1] : vector<1024x128xf32> to vector<1024xf32>
      %broadcast_in_dim3A_185 = vector.shape_cast %reduce_sum3A_184 : vector<1024xf32> to vector<1024x1xf32>
      %eq3A_186 = arith.constant 3 : i32
      %eq3A_187 = vector.broadcast %eq3A_186 : i32 to vector<1024x128xi32>
      %eq3A_188 = arith.cmpi eq, %iota3A, %eq3A_187 : vector<1024x128xi32>
      %jit3A_189 = arith.constant 0 : i32
      %broadcast_in_dim3A_190 = vector.broadcast %jit3A_189 : i32 to vector<1024x128xi32>
      %select_n3A_191 = arith.select %eq3A_188, %and3A_90, %broadcast_in_dim3A_190 : vector<1024x128xi1>, vector<1024x128xi32>
      %reduce_sum3A_192 = arith.constant dense<0> : vector<1024xi32>
      %reduce_sum3A_193 = vector.multi_reduction <add>, %select_n3A_191, %reduce_sum3A_192 [1] : vector<1024x128xi32> to vector<1024xi32>
      %broadcast_in_dim3A_194 = vector.shape_cast %reduce_sum3A_193 : vector<1024xi32> to vector<1024x1xi32>
      %eq3A_195 = vector.broadcast %broadcast_in_dim3A_194 : vector<1024x1xi32> to vector<1024x1024xi32>
      %eq3A_196 = arith.cmpi eq, %iota3A_91, %eq3A_195 : vector<1024x1024xi32>
      %jit3A_197 = arith.constant 0.000000e+00 : f32
      %broadcast_in_dim3A_198 = vector.shape_cast %broadcast_in_dim3A_185 : vector<1024x1xf32> to vector<1024x1xf32>
      %broadcast_in_dim3A_199 = vector.broadcast %broadcast_in_dim3A_198 : vector<1024x1xf32> to vector<1024x1024xf32>
      %broadcast_in_dim3A_200 = vector.broadcast %jit3A_197 : f32 to vector<1024x1024xf32>
      %select_n3A_201 = arith.select %eq3A_196, %broadcast_in_dim3A_199, %broadcast_in_dim3A_200 : vector<1024x1024xi1>, vector<1024x1024xf32>
      %add3A_202 = arith.addf %add3A_176, %select_n3A_201 : vector<1024x1024xf32>
      %eq3A_203 = arith.constant 4 : i32
      %eq3A_204 = vector.broadcast %eq3A_203 : i32 to vector<1024x128xi32>
      %eq3A_205 = arith.cmpi eq, %iota3A, %eq3A_204 : vector<1024x128xi32>
      %jit3A_206 = arith.constant 0.000000e+00 : f32
      %broadcast_in_dim3A_207 = vector.broadcast %jit3A_206 : f32 to vector<1024x128xf32>
      %select_n3A_208 = arith.select %eq3A_205, %add3A_53, %broadcast_in_dim3A_207 : vector<1024x128xi1>, vector<1024x128xf32>
      %reduce_sum3A_209 = arith.constant dense<0.000000e+00> : vector<1024xf32>
      %reduce_sum3A_210 = vector.multi_reduction <add>, %select_n3A_208, %reduce_sum3A_209 [1] : vector<1024x128xf32> to vector<1024xf32>
      %broadcast_in_dim3A_211 = vector.shape_cast %reduce_sum3A_210 : vector<1024xf32> to vector<1024x1xf32>
      %eq3A_212 = arith.constant 4 : i32
      %eq3A_213 = vector.broadcast %eq3A_212 : i32 to vector<1024x128xi32>
      %eq3A_214 = arith.cmpi eq, %iota3A, %eq3A_213 : vector<1024x128xi32>
      %jit3A_215 = arith.constant 0 : i32
      %broadcast_in_dim3A_216 = vector.broadcast %jit3A_215 : i32 to vector<1024x128xi32>
      %select_n3A_217 = arith.select %eq3A_214, %and3A_90, %broadcast_in_dim3A_216 : vector<1024x128xi1>, vector<1024x128xi32>
      %reduce_sum3A_218 = arith.constant dense<0> : vector<1024xi32>
      %reduce_sum3A_219 = vector.multi_reduction <add>, %select_n3A_217, %reduce_sum3A_218 [1] : vector<1024x128xi32> to vector<1024xi32>
      %broadcast_in_dim3A_220 = vector.shape_cast %reduce_sum3A_219 : vector<1024xi32> to vector<1024x1xi32>
      %eq3A_221 = vector.broadcast %broadcast_in_dim3A_220 : vector<1024x1xi32> to vector<1024x1024xi32>
      %eq3A_222 = arith.cmpi eq, %iota3A_91, %eq3A_221 : vector<1024x1024xi32>
      %jit3A_223 = arith.constant 0.000000e+00 : f32
      %broadcast_in_dim3A_224 = vector.shape_cast %broadcast_in_dim3A_211 : vector<1024x1xf32> to vector<1024x1xf32>
      %broadcast_in_dim3A_225 = vector.broadcast %broadcast_in_dim3A_224 : vector<1024x1xf32> to vector<1024x1024xf32>
      %broadcast_in_dim3A_226 = vector.broadcast %jit3A_223 : f32 to vector<1024x1024xf32>
      %select_n3A_227 = arith.select %eq3A_222, %broadcast_in_dim3A_225, %broadcast_in_dim3A_226 : vector<1024x1024xi1>, vector<1024x1024xf32>
      %add3A_228 = arith.addf %add3A_202, %select_n3A_227 : vector<1024x1024xf32>
      %eq3A_229 = arith.constant 5 : i32
      %eq3A_230 = vector.broadcast %eq3A_229 : i32 to vector<1024x128xi32>
      %eq3A_231 = arith.cmpi eq, %iota3A, %eq3A_230 : vector<1024x128xi32>
      %jit3A_232 = arith.constant 0.000000e+00 : f32
      %broadcast_in_dim3A_233 = vector.broadcast %jit3A_232 : f32 to vector<1024x128xf32>
      %select_n3A_234 = arith.select %eq3A_231, %add3A_53, %broadcast_in_dim3A_233 : vector<1024x128xi1>, vector<1024x128xf32>
      %reduce_sum3A_235 = arith.constant dense<0.000000e+00> : vector<1024xf32>
      %reduce_sum3A_236 = vector.multi_reduction <add>, %select_n3A_234, %reduce_sum3A_235 [1] : vector<1024x128xf32> to vector<1024xf32>
      %broadcast_in_dim3A_237 = vector.shape_cast %reduce_sum3A_236 : vector<1024xf32> to vector<1024x1xf32>
      %eq3A_238 = arith.constant 5 : i32
      %eq3A_239 = vector.broadcast %eq3A_238 : i32 to vector<1024x128xi32>
      %eq3A_240 = arith.cmpi eq, %iota3A, %eq3A_239 : vector<1024x128xi32>
      %jit3A_241 = arith.constant 0 : i32
      %broadcast_in_dim3A_242 = vector.broadcast %jit3A_241 : i32 to vector<1024x128xi32>
      %select_n3A_243 = arith.select %eq3A_240, %and3A_90, %broadcast_in_dim3A_242 : vector<1024x128xi1>, vector<1024x128xi32>
      %reduce_sum3A_244 = arith.constant dense<0> : vector<1024xi32>
      %reduce_sum3A_245 = vector.multi_reduction <add>, %select_n3A_243, %reduce_sum3A_244 [1] : vector<1024x128xi32> to vector<1024xi32>
      %broadcast_in_dim3A_246 = vector.shape_cast %reduce_sum3A_245 : vector<1024xi32> to vector<1024x1xi32>
      %eq3A_247 = vector.broadcast %broadcast_in_dim3A_246 : vector<1024x1xi32> to vector<1024x1024xi32>
      %eq3A_248 = arith.cmpi eq, %iota3A_91, %eq3A_247 : vector<1024x1024xi32>
      %jit3A_249 = arith.constant 0.000000e+00 : f32
      %broadcast_in_dim3A_250 = vector.shape_cast %broadcast_in_dim3A_237 : vector<1024x1xf32> to vector<1024x1xf32>
      %broadcast_in_dim3A_251 = vector.broadcast %broadcast_in_dim3A_250 : vector<1024x1xf32> to vector<1024x1024xf32>
      %broadcast_in_dim3A_252 = vector.broadcast %jit3A_249 : f32 to vector<1024x1024xf32>
      %select_n3A_253 = arith.select %eq3A_248, %broadcast_in_dim3A_251, %broadcast_in_dim3A_252 : vector<1024x1024xi1>, vector<1024x1024xf32>
      %add3A_254 = arith.addf %add3A_228, %select_n3A_253 : vector<1024x1024xf32>
      %eq3A_255 = arith.constant 6 : i32
      %eq3A_256 = vector.broadcast %eq3A_255 : i32 to vector<1024x128xi32>
      %eq3A_257 = arith.cmpi eq, %iota3A, %eq3A_256 : vector<1024x128xi32>
      %jit3A_258 = arith.constant 0.000000e+00 : f32
      %broadcast_in_dim3A_259 = vector.broadcast %jit3A_258 : f32 to vector<1024x128xf32>
      %select_n3A_260 = arith.select %eq3A_257, %add3A_53, %broadcast_in_dim3A_259 : vector<1024x128xi1>, vector<1024x128xf32>
      %reduce_sum3A_261 = arith.constant dense<0.000000e+00> : vector<1024xf32>
      %reduce_sum3A_262 = vector.multi_reduction <add>, %select_n3A_260, %reduce_sum3A_261 [1] : vector<1024x128xf32> to vector<1024xf32>
      %broadcast_in_dim3A_263 = vector.shape_cast %reduce_sum3A_262 : vector<1024xf32> to vector<1024x1xf32>
      %eq3A_264 = arith.constant 6 : i32
      %eq3A_265 = vector.broadcast %eq3A_264 : i32 to vector<1024x128xi32>
      %eq3A_266 = arith.cmpi eq, %iota3A, %eq3A_265 : vector<1024x128xi32>
      %jit3A_267 = arith.constant 0 : i32
      %broadcast_in_dim3A_268 = vector.broadcast %jit3A_267 : i32 to vector<1024x128xi32>
      %select_n3A_269 = arith.select %eq3A_266, %and3A_90, %broadcast_in_dim3A_268 : vector<1024x128xi1>, vector<1024x128xi32>
      %reduce_sum3A_270 = arith.constant dense<0> : vector<1024xi32>
      %reduce_sum3A_271 = vector.multi_reduction <add>, %select_n3A_269, %reduce_sum3A_270 [1] : vector<1024x128xi32> to vector<1024xi32>
      %broadcast_in_dim3A_272 = vector.shape_cast %reduce_sum3A_271 : vector<1024xi32> to vector<1024x1xi32>
      %eq3A_273 = vector.broadcast %broadcast_in_dim3A_272 : vector<1024x1xi32> to vector<1024x1024xi32>
      %eq3A_274 = arith.cmpi eq, %iota3A_91, %eq3A_273 : vector<1024x1024xi32>
      %jit3A_275 = arith.constant 0.000000e+00 : f32
      %broadcast_in_dim3A_276 = vector.shape_cast %broadcast_in_dim3A_263 : vector<1024x1xf32> to vector<1024x1xf32>
      %broadcast_in_dim3A_277 = vector.broadcast %broadcast_in_dim3A_276 : vector<1024x1xf32> to vector<1024x1024xf32>
      %broadcast_in_dim3A_278 = vector.broadcast %jit3A_275 : f32 to vector<1024x1024xf32>
      %select_n3A_279 = arith.select %eq3A_274, %broadcast_in_dim3A_277, %broadcast_in_dim3A_278 : vector<1024x1024xi1>, vector<1024x1024xf32>
      %add3A_280 = arith.addf %add3A_254, %select_n3A_279 : vector<1024x1024xf32>
      %eq3A_281 = arith.constant 7 : i32
      %eq3A_282 = vector.broadcast %eq3A_281 : i32 to vector<1024x128xi32>
      %eq3A_283 = arith.cmpi eq, %iota3A, %eq3A_282 : vector<1024x128xi32>
      %jit3A_284 = arith.constant 0.000000e+00 : f32
      %broadcast_in_dim3A_285 = vector.broadcast %jit3A_284 : f32 to vector<1024x128xf32>
      %select_n3A_286 = arith.select %eq3A_283, %add3A_53, %broadcast_in_dim3A_285 : vector<1024x128xi1>, vector<1024x128xf32>
      %reduce_sum3A_287 = arith.constant dense<0.000000e+00> : vector<1024xf32>
      %reduce_sum3A_288 = vector.multi_reduction <add>, %select_n3A_286, %reduce_sum3A_287 [1] : vector<1024x128xf32> to vector<1024xf32>
      %broadcast_in_dim3A_289 = vector.shape_cast %reduce_sum3A_288 : vector<1024xf32> to vector<1024x1xf32>
      %eq3A_290 = arith.constant 7 : i32
      %eq3A_291 = vector.broadcast %eq3A_290 : i32 to vector<1024x128xi32>
      %eq3A_292 = arith.cmpi eq, %iota3A, %eq3A_291 : vector<1024x128xi32>
      %jit3A_293 = arith.constant 0 : i32
      %broadcast_in_dim3A_294 = vector.broadcast %jit3A_293 : i32 to vector<1024x128xi32>
      %select_n3A_295 = arith.select %eq3A_292, %and3A_90, %broadcast_in_dim3A_294 : vector<1024x128xi1>, vector<1024x128xi32>
      %reduce_sum3A_296 = arith.constant dense<0> : vector<1024xi32>
      %reduce_sum3A_297 = vector.multi_reduction <add>, %select_n3A_295, %reduce_sum3A_296 [1] : vector<1024x128xi32> to vector<1024xi32>
      %broadcast_in_dim3A_298 = vector.shape_cast %reduce_sum3A_297 : vector<1024xi32> to vector<1024x1xi32>
      %eq3A_299 = vector.broadcast %broadcast_in_dim3A_298 : vector<1024x1xi32> to vector<1024x1024xi32>
      %eq3A_300 = arith.cmpi eq, %iota3A_91, %eq3A_299 : vector<1024x1024xi32>
      %jit3A_301 = arith.constant 0.000000e+00 : f32
      %broadcast_in_dim3A_302 = vector.shape_cast %broadcast_in_dim3A_289 : vector<1024x1xf32> to vector<1024x1xf32>
      %broadcast_in_dim3A_303 = vector.broadcast %broadcast_in_dim3A_302 : vector<1024x1xf32> to vector<1024x1024xf32>
      %broadcast_in_dim3A_304 = vector.broadcast %jit3A_301 : f32 to vector<1024x1024xf32>
      %select_n3A_305 = arith.select %eq3A_300, %broadcast_in_dim3A_303, %broadcast_in_dim3A_304 : vector<1024x1024xi1>, vector<1024x1024xf32>
      %add3A_306 = arith.addf %add3A_280, %select_n3A_305 : vector<1024x1024xf32>
      %eq3A_307 = arith.constant 8 : i32
      %eq3A_308 = vector.broadcast %eq3A_307 : i32 to vector<1024x128xi32>
      %eq3A_309 = arith.cmpi eq, %iota3A, %eq3A_308 : vector<1024x128xi32>
      %jit3A_310 = arith.constant 0.000000e+00 : f32
      %broadcast_in_dim3A_311 = vector.broadcast %jit3A_310 : f32 to vector<1024x128xf32>
      %select_n3A_312 = arith.select %eq3A_309, %add3A_53, %broadcast_in_dim3A_311 : vector<1024x128xi1>, vector<1024x128xf32>
      %reduce_sum3A_313 = arith.constant dense<0.000000e+00> : vector<1024xf32>
      %reduce_sum3A_314 = vector.multi_reduction <add>, %select_n3A_312, %reduce_sum3A_313 [1] : vector<1024x128xf32> to vector<1024xf32>
      %broadcast_in_dim3A_315 = vector.shape_cast %reduce_sum3A_314 : vector<1024xf32> to vector<1024x1xf32>
      %eq3A_316 = arith.constant 8 : i32
      %eq3A_317 = vector.broadcast %eq3A_316 : i32 to vector<1024x128xi32>
      %eq3A_318 = arith.cmpi eq, %iota3A, %eq3A_317 : vector<1024x128xi32>
      %jit3A_319 = arith.constant 0 : i32
      %broadcast_in_dim3A_320 = vector.broadcast %jit3A_319 : i32 to vector<1024x128xi32>
      %select_n3A_321 = arith.select %eq3A_318, %and3A_90, %broadcast_in_dim3A_320 : vector<1024x128xi1>, vector<1024x128xi32>
      %reduce_sum3A_322 = arith.constant dense<0> : vector<1024xi32>
      %reduce_sum3A_323 = vector.multi_reduction <add>, %select_n3A_321, %reduce_sum3A_322 [1] : vector<1024x128xi32> to vector<1024xi32>
      %broadcast_in_dim3A_324 = vector.shape_cast %reduce_sum3A_323 : vector<1024xi32> to vector<1024x1xi32>
      %eq3A_325 = vector.broadcast %broadcast_in_dim3A_324 : vector<1024x1xi32> to vector<1024x1024xi32>
      %eq3A_326 = arith.cmpi eq, %iota3A_91, %eq3A_325 : vector<1024x1024xi32>
      %jit3A_327 = arith.constant 0.000000e+00 : f32
      %broadcast_in_dim3A_328 = vector.shape_cast %broadcast_in_dim3A_315 : vector<1024x1xf32> to vector<1024x1xf32>
      %broadcast_in_dim3A_329 = vector.broadcast %broadcast_in_dim3A_328 : vector<1024x1xf32> to vector<1024x1024xf32>
      %broadcast_in_dim3A_330 = vector.broadcast %jit3A_327 : f32 to vector<1024x1024xf32>
      %select_n3A_331 = arith.select %eq3A_326, %broadcast_in_dim3A_329, %broadcast_in_dim3A_330 : vector<1024x1024xi1>, vector<1024x1024xf32>
      %add3A_332 = arith.addf %add3A_306, %select_n3A_331 : vector<1024x1024xf32>
      %eq3A_333 = arith.constant 9 : i32
      %eq3A_334 = vector.broadcast %eq3A_333 : i32 to vector<1024x128xi32>
      %eq3A_335 = arith.cmpi eq, %iota3A, %eq3A_334 : vector<1024x128xi32>
      %jit3A_336 = arith.constant 0.000000e+00 : f32
      %broadcast_in_dim3A_337 = vector.broadcast %jit3A_336 : f32 to vector<1024x128xf32>
      %select_n3A_338 = arith.select %eq3A_335, %add3A_53, %broadcast_in_dim3A_337 : vector<1024x128xi1>, vector<1024x128xf32>
      %reduce_sum3A_339 = arith.constant dense<0.000000e+00> : vector<1024xf32>
      %reduce_sum3A_340 = vector.multi_reduction <add>, %select_n3A_338, %reduce_sum3A_339 [1] : vector<1024x128xf32> to vector<1024xf32>
      %broadcast_in_dim3A_341 = vector.shape_cast %reduce_sum3A_340 : vector<1024xf32> to vector<1024x1xf32>
      %eq3A_342 = arith.constant 9 : i32
      %eq3A_343 = vector.broadcast %eq3A_342 : i32 to vector<1024x128xi32>
      %eq3A_344 = arith.cmpi eq, %iota3A, %eq3A_343 : vector<1024x128xi32>
      %jit3A_345 = arith.constant 0 : i32
      %broadcast_in_dim3A_346 = vector.broadcast %jit3A_345 : i32 to vector<1024x128xi32>
      %select_n3A_347 = arith.select %eq3A_344, %and3A_90, %broadcast_in_dim3A_346 : vector<1024x128xi1>, vector<1024x128xi32>
      %reduce_sum3A_348 = arith.constant dense<0> : vector<1024xi32>
      %reduce_sum3A_349 = vector.multi_reduction <add>, %select_n3A_347, %reduce_sum3A_348 [1] : vector<1024x128xi32> to vector<1024xi32>
      %broadcast_in_dim3A_350 = vector.shape_cast %reduce_sum3A_349 : vector<1024xi32> to vector<1024x1xi32>
      %eq3A_351 = vector.broadcast %broadcast_in_dim3A_350 : vector<1024x1xi32> to vector<1024x1024xi32>
      %eq3A_352 = arith.cmpi eq, %iota3A_91, %eq3A_351 : vector<1024x1024xi32>
      %jit3A_353 = arith.constant 0.000000e+00 : f32
      %broadcast_in_dim3A_354 = vector.shape_cast %broadcast_in_dim3A_341 : vector<1024x1xf32> to vector<1024x1xf32>
      %broadcast_in_dim3A_355 = vector.broadcast %broadcast_in_dim3A_354 : vector<1024x1xf32> to vector<1024x1024xf32>
      %broadcast_in_dim3A_356 = vector.broadcast %jit3A_353 : f32 to vector<1024x1024xf32>
      %select_n3A_357 = arith.select %eq3A_352, %broadcast_in_dim3A_355, %broadcast_in_dim3A_356 : vector<1024x1024xi1>, vector<1024x1024xf32>
      %add3A_358 = arith.addf %add3A_332, %select_n3A_357 : vector<1024x1024xf32>
      %swap3A_359 = arith.constant 0 : index
      %swap3A_360 = arith.constant 0 : index
      %swap3A_361 = vector.load %arg9[%swap3A_359, %swap3A_360] : memref<1024x1024xf32, #tpu.memory_space<vmem>>, vector<1024x1024xf32>
      tpu.vector_store %arg9[%swap3A_359, %swap3A_360], %add3A_358 {strides = array<i32>} : memref<1024x1024xf32, #tpu.memory_space<vmem>>, vector<1024x1024xf32>,
      %reduce_max3A_362 = arith.constant dense<0xFF800000> : vector<1024xf32>
      %reduce_max3A_363 = vector.multi_reduction <maximumf>, %add3A_358, %reduce_max3A_362 [1] : vector<1024x1024xf32> to vector<1024xf32>
      %broadcast_in_dim3A_364 = vector.shape_cast %reduce_max3A_363 : vector<1024xf32> to vector<1024x1xf32>
      %eq3A_365 = vector.broadcast %broadcast_in_dim3A_364 : vector<1024x1xf32> to vector<1024x1024xf32>
      %eq3A_366 = arith.cmpf oeq, %add3A_358, %eq3A_365 : vector<1024x1024xf32>
      %broadcast_in_dim3A_367 = vector.broadcast %cond3A_42 : i32 to vector<1024x1024xi32>
      %select_n3A_368 = arith.select %eq3A_366, %iota3A_91, %broadcast_in_dim3A_367 : vector<1024x1024xi1>, vector<1024x1024xi32>
      %reduce_min3A = arith.constant dense<2147483647> : vector<1024xi32>
      %reduce_min3A_369 = vector.multi_reduction <minsi>, %select_n3A_368, %reduce_min3A [1] : vector<1024x1024xi32> to vector<1024xi32>
      %broadcast_in_dim3A_370 = vector.shape_cast %reduce_min3A_369 : vector<1024xi32> to vector<1024x1xi32>
      %broadcast_in_dim3A_371 = vector.shape_cast %broadcast_in_dim3A_370 : vector<1024x1xi32> to vector<1024x1xi32>
      %broadcast_in_dim3A_372 = vector.broadcast %broadcast_in_dim3A_371 : vector<1024x1xi32> to vector<1024x128xi32>
      %swap3A_373 = arith.constant 0 : index
      %swap3A_374 = arith.constant 0 : index
      %swap3A_375 = vector.load %arg10[%swap3A_373, %swap3A_374] : memref<1024x128xi32, #tpu.memory_space<vmem>>, vector<1024x128xi32>
      tpu.vector_store %arg10[%swap3A_373, %swap3A_374], %broadcast_in_dim3A_372 {strides = array<i32>} : memref<1024x128xi32, #tpu.memory_space<vmem>>, vector<1024x128xi32>,
    } else {
    }
    return
  }
  func.func @transform_0(%arg0: i32) -> (i32, i32) {
    %c0_i32 = arith.constant 0 : i32
    %c0_i32_0 = arith.constant 0 : i32
    %c0_i32_1 = arith.constant 0 : i32
    return %c0_i32, %c0_i32_0 : i32, i32
  }
  func.func @transform_1(%arg0: i32) -> (i32, i32) {
    %c0_i32 = arith.constant 0 : i32
    %c0_i32_0 = arith.constant 0 : i32
    %c0_i32_1 = arith.constant 0 : i32
    return %c0_i32, %c0_i32_0 : i32, i32
  }
  func.func @transform_2(%arg0: i32) -> (i32, i32) {
    %c0_i32 = arith.constant 0 : i32
    %c0_i32_0 = arith.constant 0 : i32
    return %arg0, %c0_i32 : i32, i32
  }
  func.func @transform_3(%arg0: i32) -> (i32, i32, i32) {
    %c0_i32 = arith.constant 0 : i32
    %c0_i32_0 = arith.constant 0 : i32
    %c0_i32_1 = arith.constant 0 : i32
    return %arg0, %c0_i32, %c0_i32_0 : i32, i32, i32
  }
  func.func @transform_4(%arg0: i32) -> (i32, i32) {
    %c0_i32 = arith.constant 0 : i32
    %c0_i32_0 = arith.constant 0 : i32
    %c0_i32_1 = arith.constant 0 : i32
    return %c0_i32, %c0_i32_0 : i32, i32
  }
  func.func @transform_5(%arg0: i32) -> (i32, i32, i32) {
    %c0_i32 = arith.constant 0 : i32
    %c0_i32_0 = arith.constant 0 : i32
    %c0_i32_1 = arith.constant 0 : i32
    %c0_i32_2 = arith.constant 0 : i32
    return %c0_i32, %c0_i32_0, %c0_i32_1 : i32, i32, i32
  }
  func.func @transform_6(%arg0: i32) -> (i32, i32) {
    %c0_i32 = arith.constant 0 : i32
    %c0_i32_0 = arith.constant 0 : i32
    %c0_i32_1 = arith.constant 0 : i32
    return %c0_i32, %c0_i32_0 : i32, i32
  }
  func.func @transform_7(%arg0: i32) -> (i32, i32) {
    %c0_i32 = arith.constant 0 : i32
    %c0_i32_0 = arith.constant 0 : i32
    %c0_i32_1 = arith.constant 0 : i32
    return %c0_i32, %c0_i32_0 : i32, i32
  }
  func.func @transform_8(%arg0: i32) -> (i32, i32) {
    %c0_i32 = arith.constant 0 : i32
    %c0_i32_0 = arith.constant 0 : i32
    %c0_i32_1 = arith.constant 0 : i32
    return %c0_i32, %c0_i32_0 : i32, i32
  }
  func.func @transform_9(%arg0: i32) -> (i32, i32) {
    %c0_i32 = arith.constant 0 : i32
    %c0_i32_0 = arith.constant 0 : i32
    %c0_i32_1 = arith.constant 0 : i32
    return %c0_i32, %c0_i32_0 : i32, i32
  }
}

</mosaic_0001>

<sc_bundles>
// kernel: gather_offload_async_start.1
scs
__scs_entry_jumppad:
0x0: {  	(pc) =	sbr.rel $0x88, $3  }
0x1: {  	(tag) =	ssettag $0x0;
	lr =	simm.s32 $0x1  }
0x2: {  	[smem:$0x3F9D] =	sst lr;
	_ =	strace $0xD0000000  }
0x3: {  	_ = 	snop  }
0x4: {  	_ = 	snop  }
0x5: {  	_ = 	snop  }
0x6: {  	_ = 	snop  }
0x7: {  	_ = 	snop  }
__scs_overlays_trampoline_lowered:
0x8: {  	[smem:$0x3FAC] =	sst s0  }
0x9: {  	[smem:$0x3FAD] =	sst s1  }
0xa: {  	[smem:$0x3FAE] =	sst s2  }
0xb: {  	[smem:$0x3FAF] =	sst s3  }
0xc: {  	[smem:$0x3FB0] =	sst s4  }
0xd: {  	[smem:$0x3FB1] =	sst s5  }
0xe: {  	[smem:$0x3FB2] =	sst s6  }
0xf: {  	[smem:$0x3FB3] =	sst s7  }
0x10: {  	[smem:$0x3FB4] =	sst s8  }
0x11: {  	[smem:$0x3FB5] =	sst s9;
	s0 =	simm.s32 @!p0 $0x0  }
0x12: {  	s1 =	sld [smem:$0x3F9B];
	s0 =	simm.s32 @p0 $0x1  }
0x13: {  	[smem:$0x3FB6] =	sst s0;
	s0 =	simm.s32 @!p1 $0x0  }
0x14: {  	s2 =	sld [smem:$0x3F9A];
	s0 =	simm.s32 @p1 $0x1  }
0x15: {  	[smem:$0x3FB7] =	sst s0;
	s0 =	simm.s32 @!p2 $0x0  }
0x16: {  	s3 =	sld [smem:$0x3FDB];
	s0 =	simm.s32 @p2 $0x1  }
0x17: {  	s4 =	simm.s32 $0x1BF5;
	[smem:$0x3FB9] =	sst s0  }
0x18: {  	s0 =	sld [smem:$0x3F9C];
	_ =	swait.ge [sflag:s4], $0x0  }
0x19: {  	s7 =	sld [smem:$0x3F9D]  }
0x1a: {  	s8 =	sadd.s32 $0xFFFFE003, lr  }
0x1b: {  	s9 =	sadd.s32 $0xFFFFFEF7, lr;
	s5 =	simm.s32 $0xFFFFFFFF;
	p2 =	slt.u32 s8, $0xFFFFF086  }
0x1c: {  	p1 =	slt.u32 s9, $0xF7A;
	s5 =	simm.s32 @!p2 $0x0  }
0x1d: {  	s5 =	simm.s32 @p1 $0x1;
	p0 =	seq.s32 s7, s2  }
0x1e: {  	s7 =	smul.u32 @!p0 $0xF7A, s2;
	p2 =	seq.s32 @!p0 s5, $0x0  }
0x1f: {  	s9 =	smul.u32 $0xF7A, s1;
	s8 =	simm.s32 @!p0 $0x1BF5;
	p2 =	por !p2, p0  }
0x20: {  	[sflag:s8] =	ssyncset.s32 @!p0 $0xFFFFF086;
	s6 =	sadd.s32 @!p0 s3, s7;
	s7 =	simm.s32 @!p0 $0x108  }
0x21: {  	s3 =	sadd.s32 s3, s9;
	s6 =	sadd.s32 @!p0 $0x88, s6;
	s7 =	simm.s32 @p2 $0x1082  }
0x22: {  	[simem:s7], [sflag:s8] =	dma.local @!p0 [hbm:s6], $0xF7A  }
0x23: {  	s9 =	sor.u32 $0xD0000000, s2;
	s6 =	simm.s32 $0x108;
	_ =	swait.ge @!p0 [sflag:s8], $0x0  }
0x24: {  	s3 =	sadd.s32 $0x88, s3;
	s6 =	simm.s32 @!p1 $0x1082;
	[sflag:s4] =	ssyncset.s32 $0xFFFFF086  }
0x25: {  	[simem:s6], [sflag:s4] =	dma.local [hbm:s3], $0xF7A  }
0x26: {  	[smem:$0x3F9D] =	sst s1;
	(tag) =	ssettag s2;
	_ =	strace s9  }
0x27: {  	s1 =	sld [smem:$0x3FAD]  }
0x28: {  	s2 =	sld [smem:$0x3FAE]  }
0x29: {  	s4 =	sld [smem:$0x3FB0]  }
0x2a: {  	p0 =	seq.s32 s5, $0x0;
	s5 =	sld [smem:$0x3FB1]  }
0x2b: {  	s6 =	sld [smem:$0x3FB2]  }
0x2c: {  	s7 =	sld [smem:$0x3FB3]  }
0x2d: {  	s3 =	simm.s32 $0x108;
	s8 =	sld [smem:$0x3FB4]  }
0x2e: {  	s3 =	simm.s32 @!p0 $0x1082;
	s9 =	sld [smem:$0x3FB5]  }
0x2f: {  	lr =	sadd.s32 s0, s3;
	s0 =	sld [smem:$0x3FAC]  }
0x30: {  	s3 =	sld [smem:$0x3FAF]  }
0x31: {  	[smem:$0x3FB8] =	sst s10  }
0x32: {  	s10 =	sld [smem:$0x3FB6];
	_ =	sdelay $0x3  }
0x33: {  	p0 =	seq.s32 s10, $0x1;
	s10 =	sld [smem:$0x3FB8];
	_ =	sdelay $0x3  }
0x34: {  	[smem:$0x3FB8] =	sst s10  }
0x35: {  	s10 =	sld [smem:$0x3FB7];
	_ =	sdelay $0x3  }
0x36: {  	p1 =	seq.s32 s10, $0x1;
	s10 =	sld [smem:$0x3FB8];
	_ =	sdelay $0x3  }
0x37: {  	[smem:$0x3FB8] =	sst s10  }
0x38: {  	s10 =	sld [smem:$0x3FB9]  }
0x39: {  	_ = 	snop;
	(pc) =	sbr.ind lr, $3  }
0x3a: {  	_ = 	snop  }
0x3b: {  	_ = 	snop  }
0x3c: {  	p2 =	seq.s32 s10, $0x1;
	s10 =	sld [smem:$0x3FB8]  }
0x3d: {  	_ =	shalt  }
0x3e: {  	_ =	shalt  }
0x3f: {  	_ =	shalt  }
0x40: {  	_ =	shalt  }
0x41: {  	_ =	shalt  }
0x42: {  	_ =	shalt  }
0x43: {  	_ =	shalt  }
0x44: {  	_ =	shalt  }
0x45: {  	_ =	shalt  }
0x46: {  	_ =	shalt  }
0x47: {  	_ =	shalt  }
0x48: {  	_ =	shalt  }
0x49: {  	_ =	shalt  }
0x4a: {  	_ =	shalt  }
0x4b: {  	_ =	shalt  }
0x4c: {  	_ =	shalt  }
0x4d: {  	_ =	shalt  }
0x4e: {  	_ =	shalt  }
0x4f: {  	_ =	shalt  }
0x50: {  	_ =	shalt  }
0x51: {  	_ =	shalt  }
0x52: {  	_ =	shalt  }
0x53: {  	_ =	shalt  }
0x54: {  	_ =	shalt  }
0x55: {  	_ =	shalt  }
0x56: {  	_ =	shalt  }
0x57: {  	_ =	shalt  }
0x58: {  	_ =	shalt  }
0x59: {  	_ =	shalt  }
0x5a: {  	_ =	shalt  }
0x5b: {  	_ =	shalt  }
0x5c: {  	_ =	shalt  }
0x5d: {  	_ =	shalt  }
0x5e: {  	_ =	shalt  }
0x5f: {  	_ =	shalt  }
0x60: {  	_ =	shalt  }
0x61: {  	_ =	shalt  }
0x62: {  	_ =	shalt  }
0x63: {  	_ =	shalt  }
0x64: {  	_ =	shalt  }
0x65: {  	_ =	shalt  }
0x66: {  	_ =	shalt  }
0x67: {  	_ =	shalt  }
0x68: {  	_ =	shalt  }
0x69: {  	_ =	shalt  }
0x6a: {  	_ =	shalt  }
0x6b: {  	_ =	shalt  }
0x6c: {  	_ =	shalt  }
0x6d: {  	_ =	shalt  }
0x6e: {  	_ =	shalt  }
0x6f: {  	_ =	shalt  }
0x70: {  	_ =	shalt  }
0x71: {  	_ =	shalt  }
0x72: {  	_ =	shalt  }
0x73: {  	_ =	shalt  }
0x74: {  	_ =	shalt  }
0x75: {  	_ =	shalt  }
0x76: {  	_ =	shalt  }
0x77: {  	_ =	shalt  }
0x78: {  	_ =	shalt  }
0x79: {  	_ =	shalt  }
0x7a: {  	_ =	shalt  }
0x7b: {  	_ =	shalt  }
0x7c: {  	_ =	shalt  }
0x7d: {  	_ =	shalt  }
0x7e: {  	_ =	shalt  }
0x7f: {  	_ =	shalt  }
0x80: {  	_ =	shalt  }
0x81: {  	_ =	shalt  }
0x82: {  	_ =	shalt  }
0x83: {  	_ =	shalt  }
0x84: {  	_ =	shalt  }
0x85: {  	_ =	shalt  }
0x86: {  	_ =	shalt  }
0x87: {  	_ =	shalt  }
.Lfunc_end0:
.L_simem_size_0:
called_computation.1_lowered:
.L_overlay_start_0:
0x88: {  	s2 =	sld [smem:$0x3FD9]  }
0x89: {  	s3 =	sld [smem:$0x3FFE];
	_ =	sdelay $0x1  }
0x8a: {  	s1 =	srdreg.scid  }
0x8b: {  	s0 =	sand.u32 $0x1, s1  }
0x8c: {  	s14 =	sshll.u32 s0, $0xA;
	s2 =	sadd.s32 s3, s2  }
0x8d: {  	s2 =	sadd.s32 s2, s14  }
0x8e: {  	[smem:$0x3FC4] =	sst s2  }
0x8f: {  	_ = 	snop  }
0x90: {  	s2 =	sld [smem:$0x3FD0];
	_ =	sdelay $0x2  }
0x91: {  	s15 =	simm.s32 $0xB;
	s4 =	simm.s32 $0x10  }
0x92: {  	[smem:s4], [sflag:s15] =	dma.local [hbm:s2], $0x1  }
0x93: {  	_ =	swait.eq [sflag:s15], $0x1  }
0x94: {  	[sflag:s15] =	ssyncset.done $0x0  }
0x95: {  	s16 =	sld [smem:$0x12];
	[sflag:s15] =	ssyncadd.s32 $0xFFFFFFFF  }
0x96: {  	s17 =	sld [smem:$0x13];
	(tm) =	ssettm $0x1  }
0x97: {  	s18 =	sld [smem:$0x3FFB];
	_ =	sdelay $0x3  }
0x98: {  	_ =	strace s18  }
0x99: {  	s4 =	sld [smem:$0x3FFC];
	_ =	sdelay $0x3  }
0x9a: {  	_ =	strace s4  }
0x9b: {  	s4 =	sld [smem:$0x3FFD];
	_ =	sdelay $0x3  }
0x9c: {  	_ =	strace s4  }
0x9d: {  	_ =	strace $0x8FFFFFFF  }
0x9e: {  	s19 =	sld [smem:$0x3FDB];
	_ =	sdelay $0x1  }
0x9f: {  	s5 =	simm.s32 $_scs_section_size  }
0xa0: {  	s6 =	simm.s32 $_size__tile_overlayer_lowered;
	s7 =	simm.s32 $_tile_overlayer_lowered  }
0xa1: {  	s22 =	simm.s32 $0x1BFF;
	s21 =	sshll.u32 s7, $0x1;
	s4 =	sadd.s32 s5, s19  }
0xa2: {  	s8 =	simm.s32 $0x0;
	s20 =	sshll.u32 s6, $0x1;
	s6 =	sadd.s32 s21, s4  }
0xa3: {  	[timem:s8], [sflag:s22] =	dma.local [hbm:s6], s20  }
0xa4: {  	_ =	swait.ge [sflag:s22], s20  }
0xa5: {  	s5 =	ssub.s32 $0x0, s20;
	[sflag:s22] =	ssyncset.done $0x0  }
0xa6: {  	[sflag:s22] =	ssyncadd.s32 s5;
	_ =	sdelay $0x1  }
0xa7: {  	s23 =	simm.s32 $0x1B8B  }
0xa8: {  	_ =	swait.ge [sflag:s23], $0x1  }
0xa9: {  	[sflag:s23] =	ssyncset.done $0x0  }
0xaa: {  	s25 =	simm.s32 $0x1B8E;
	s24 =	sld [smem:$0x3FFE];
	[sflag:s23] =	ssyncadd.s32 $0xFFFFFFFF  }
0xab: {  	s26 =	simm.s32 $execute0_lowered;
	[smem:$0x3FD2] =	sst s25  }
0xac: {  	s6 =	sshll.u32 s26, $0x1;
	_ =	strace $0x80000046;
	[dreg:$0x1] =	wrdreg $0xFFFFFFFF  }
0xad: {  	s28 =	simm.s32 $_size_execute0_lowered;
	s4 =	sadd.s32 s4, s6;
	[dreg:$0x0] =	wrdreg $0x0  }
0xae: {  	s6 =	sshll.u32 s28, $0x1;
	[dreg:$0x2] =	wrdreg s4  }
0xaf: {  	[dreg:$0x3] =	wrdreg s6  }
0xb0: {  	[dreg:$0x4] =	wrdreg $0xC0  }
0xb1: {  	_ =	task [dreg:s8], $0x5FFFF  }
0xb2: {  	[dreg:$0x1] =	wrdreg $0xFFFFFFFF  }
0xb3: {  	[dreg:$0x0] =	wrdreg $0x60  }
0xb4: {  	[dreg:$0x2] =	wrdreg s24  }
0xb5: {  	[dreg:$0x3] =	wrdreg s17  }
0xb6: {  	[dreg:$0x4] =	wrdreg s16  }
0xb7: {  	[dreg:$0x5] =	wrdreg $0xA  }
0xb8: {  	_ =	task.clear_ibuf [dreg:s8], $0x6FFFF;
	_ =	strace $0x90000046  }
0xb9: {  	s29 =	simm.s32 $0xA;
	_ =	strace $0x80000048  }
0xba: {  	_ =	swait.ge [sflag:s29], $0x1  }
0xbb: {  	[sflag:s29] =	ssyncadd.s32 $0xFFFFFFFF  }
0xbc: {  	_ =	strace $0x90000048  }
0xbd: {  	_ =	sfence  }
0xbe: {  	s30 =	sld [smem:$0x0];
	_ =	sdelay $0x2  }
0xbf: {  	s31 =	sshll.u32 s1, $0xD;
	s1 =	sshrl.u32 s1, $0x2  }
0xc0: {  	s3 =	sand.u32 $0x4000, s31;
	s1 =	sadd.s32 s1, s30  }
0xc1: {  	s0 =	sor.u32 s3, s0;
	s1 =	sshll.u32 s1, $0x11  }
0xc2: {  	s0 =	sor.u32 s1, s0  }
0xc3: {  	s0 =	sadd.s32 $0x8F2B, s0  }
0xc4: {  	[sflag:s0] =	ssyncadd.remote.s32 $0x1  }
0xc5: {  	_ =	sfence.sel $0xFFFF  }
0xc6: {  	[dreg:$0x0] =	wrdreg $0xFFFFFFFF;
	(pc) =	sbr.abs _section_cstart, $3  }
0xc7: {  	[dreg:$0x1] =	wrdreg $0xFFFFFFFF  }
0xc8: {  	_ =	task.clear_ibuf [dreg:s8], $0x2FFFF;
	_ =	strace $0x9FFFFFFF  }
0xc9: {  	(tm) =	ssettm $0x7FFFFFFF  }
tec
execute0_lowered:
.L_overlay_start_1:
0x0: {  	(tag) =	ssettag $0x1  }
0x1: {  	s1 =	srdreg.scid;
	s6 =	rddreg [dreg:$0x0]  }
0x2: {  	s0 =	stileid.u32;
	s2 =	rddreg [dreg:$0x1];
	s1 =	sshll.u32 s1, $0x5  }
0x3: {  	s3 =	rddreg [dreg:$0x2];
	s4 =	sshll.u32 s0, $0x6;
	s1 =	sand.u32 $0x20, s1  }
0x4: {  	s7 =	simm.s32 $0x1;
	s30 =	simm.s32 $0x2;
	s4 =	sor.u32 s4, s1  }
0x5: {  	s31 =	simm.s32 $0x3;
	s11 =	simm.s32 $0x0;
	s5 =	ssub.s32 $0x800, s4  }
0x6: {  	s9 =	simm.s32 $0x0;
	s6 =	sadd.s32 $0x186A00, s6;
	s8 =	sand.u32 $0x3E0, s5  }
0x7: {  	s1 =	rddreg [dreg:$0x3];
	_ =	strace $0x80000047;
	p0 =	sne.s32 s8, $0x0  }
0x8: {  	[sflag:s7] =	ssyncpa.u1 $0x0;
	s5 =	sshrl.u32 s5, $0xA;
	s7 =	simm.s32 @!p0 $0x0  }
0x9: {  	s10 =	smov.u32 s4;
	[sflag:s30] =	ssyncpa.u1 $0x0;
	s5 =	sadd.s32 s7, s5  }
0xa: {  	[sflag:s31] =	ssyncpa.u1 $0x0;
	s8 =	simm.s32 $0x0;
	s7 =	sadd.s32 $0x1, s5  }
.LBB2_1:
0xb: {  	p0 =	sge.u32 s9, s5  }
0xc: {  	s31 =	sadd.s32 $0xFFFFFFFF, s9;
	s12 =	sxor.u32 @!p0 $0xFFFFFFFF, s8;
	s13 =	sshrl.u32 @!p0 s10, $0x3  }
0xd: {  	s14 =	sand.u32 @!p0 $0x7, s10;
	s12 =	sand.u32 @!p0 $0x20, s12;
	s13 =	sadd.s32 @!p0 s2, s13  }
0xe: {  	[tilespmem:s12], [sflag:$0x2] =	stream.linear.gather @!p0 [hbm4b:s13+s14], $0x20, $0x38;
	[tilespmem:$0x80] =	vst v63  }
0xf: {  	p0 =	sge.u32 s31, s5  }
0x10: {  	s12 =	simm.s32 @!p0 $0x2  }
0x11: {  	_ =	swait.ge @!p0 [sflag:s12], $0x20  }
0x12: {  	[sflag:s12] =	ssyncset.done @!p0 $0x0  }
0x13: {  	[sflag:s12] =	ssyncadd.s32 @!p0 $0xFFFFFFE0;
	s12 =	sand.u32 @!p0 $0x20, s8  }
0x14: {  	(ifvalue) =	ssetifvalue @!p0 $0x7FFFFFFF;
	v0 =	vld.msk @!p0 [tilespmem:s12+$0x0 ss:$0x1], $0xffff;
	_ =	sdelay $0x4  }
0x15: {  	vm0 =	vgt.s32 @!p0 v0, $0x0  }
0x16: {  	v0 =	vnsel @!p0 vm0, $0x0, v0  }
0x17: {  	v0 =	vmin.u32 @!p0 v0, $0x187FF;
	_ =	sdelay $0x2  }
0x18: {  	s14 =	simm.s32 @!p0 $0x0  }
0x19: {  	s13 =	sor.u32 @!p0 $0x40, s12;
	(ifvalue) =	ssetifvalue @!p0 $0x7FFFFFFF;
	s15 =	sor.u32 @!p0 $0x10, s12;
	vm0 =	vmmov @!p0 $0xffff  }
0x1a: {  	[tilespmem:s13], [sflag:$0x1] =	stream.indirect_vreg.gather @!p0 [hbm4b:s6+s14], $0x1, v0, vm0, $0x4038;
	[tilespmem:$0x80] =	vst v63  }
0x1b: {  	v0 =	vld.msk @!p0 [tilespmem:s15+$0x0 ss:$0x1], $0xffff;
	_ =	sdelay $0x4  }
0x1c: {  	vm1 =	vgt.s32 @!p0 v0, $0x0  }
0x1d: {  	v0 =	vnsel @!p0 vm1, $0x0, v0  }
0x1e: {  	v0 =	vmin.u32 @!p0 v0, $0x187FF;
	_ =	sdelay $0x3  }
0x1f: {  	s12 =	sor.u32 @!p0 $0x50, s12;
	(ifvalue) =	ssetifvalue @!p0 $0x7FFFFFFF  }
0x20: {  	[tilespmem:s12], [sflag:$0x1] =	stream.indirect_vreg.gather @!p0 [hbm4b:s6+s14], $0x1, v0, vm0, $0x4038;
	[tilespmem:$0x80] =	vst v63  }
0x21: {  	s12 =	simm.s32 @!p0 $0x1  }
0x22: {  	_ =	swait.ge @!p0 [sflag:s12], $0x20  }
0x23: {  	s14 =	sshrl.u32 @!p0 s11, $0x3;
	[sflag:s12] =	ssyncset.done @!p0 $0x0  }
0x24: {  	s11 =	sand.u32 @!p0 $0x7, s11;
	[sflag:s12] =	ssyncadd.s32 @!p0 $0xFFFFFFE0;
	s12 =	sadd.s32 @!p0 s3, s14  }
0x25: {  	[hbm4b:s12+s11] =	stream.linear.scatter @!p0 [tilespmem:s13], [sflag:$0x3], $0x20, $0x38;
	[tilespmem:$0x80] =	vst v63  }
0x26: {  	s13 =	sadd.s32 $0x400, s10  }
0x27: {  	p1 =	sgt.s32 s13, $0x7FF  }
0x28: {  	s13 =	smov.u32 @p1 s4;
	p1 =	sne.s32 s9, s7  }
.Ltmp0:
0x29: {  	p0 =	slt.u32 s9, $0x2;
	(pc) =	sbr.rel @p1 .LBB2_1-.Ltmp0, $4  }
0x2a: {  	s12 =	simm.s32 @!p0 $0x3  }
0x2b: {  	_ =	swait.ge @!p0 [sflag:s12], $0x20  }
0x2c: {  	s8 =	sadd.s32 $0x20, s8;
	s11 =	smov.u32 s10;
	[sflag:s12] =	ssyncset.done @!p0 $0x0  }
0x2d: {  	s9 =	sadd.s32 $0x1, s9;
	s10 =	smov.u32 s13;
	[sflag:s12] =	ssyncadd.s32 @!p0 $0xFFFFFFE0  }
0x2e: {  	_ =	sfence.sel $0x180000  }
0x2f: {  	s2 =	simm.s32 $0x2;
	[bflag:$0x0] =	sbarrier.arrive $0xFFFF  }
0x30: {  	s30 =	simm.s32 $0x3;
	[sflag:s2] =	ssyncpa.u1 $0x1  }
0x31: {  	s31 =	simm.s32 $0x1;
	[sflag:s30] =	ssyncpa.u1 $0x1  }
0x32: {  	[sflag:s31] =	ssyncpa.u1 $0x1  }
0x33: {  	p0 =	sne.s32 s0, $0x0;
	_ =	strace $0x90000047  }
0x34: {  	s0 =	sadd.s32 @!p0 $0x100000, s1;
	[bflag:$0x2] =	sbarrier.arrive $0xFFFF  }
0x35: {  	[sflag:s0] =	ssyncadd.tile.s32 @!p0 $0x1;
	_ =	shalt  }
.Lfunc_end2:
_tile_overlayer_lowered:
.L_overlay_start_2:
0x36: {  	(tag) =	ssettag $0x2  }
0x37: {  	s0 =	rddreg [dreg:$0x0];
	s2 =	stileid.u32  }
0x38: {  	s1 =	rddreg [dreg:$0x1];
	p0 =	sne.s32 s2, $0x0  }
0x39: {  	s3 =	rddreg [dreg:$0x2];
	[bflag:$0x3] =	sbarrier.arrive $0xFFFF;
	s2 =	simm.s32 @!p0 $0x1C01  }
0x3a: {  	[timem:s3], [sflag:s2] =	dma.local @!p0 [hbm:s0], s1  }
0x3b: {  	s0 =	simm.s32 @!p0 $0x1  }
0x3c: {  	_ =	swait.ge @!p0 [sflag:s0], s1  }
0x3d: {  	s1 =	ssub.s32 @!p0 $0x0, s1;
	[sflag:s0] =	ssyncset.done @!p0 $0x0  }
0x3e: {  	[sflag:s0] =	ssyncadd.s32 @!p0 s1  }
0x3f: {  	[bflag:$0x3] =	sbarrier.arrive $0xFFFF  }
0x40: {  	_ =	shalt  }

// kernel: gather_offload_async_start
scs
__scs_entry_jumppad:
0x0: {  	(pc) =	sbr.rel $0x88, $3  }
0x1: {  	(tag) =	ssettag $0x0;
	lr =	simm.s32 $0x1  }
0x2: {  	[smem:$0x3F9D] =	sst lr;
	_ =	strace $0xD0000000  }
0x3: {  	_ = 	snop  }
0x4: {  	_ = 	snop  }
0x5: {  	_ = 	snop  }
0x6: {  	_ = 	snop  }
0x7: {  	_ = 	snop  }
__scs_overlays_trampoline_lowered:
0x8: {  	[smem:$0x3FAC] =	sst s0  }
0x9: {  	[smem:$0x3FAD] =	sst s1  }
0xa: {  	[smem:$0x3FAE] =	sst s2  }
0xb: {  	[smem:$0x3FAF] =	sst s3  }
0xc: {  	[smem:$0x3FB0] =	sst s4  }
0xd: {  	[smem:$0x3FB1] =	sst s5  }
0xe: {  	[smem:$0x3FB2] =	sst s6  }
0xf: {  	[smem:$0x3FB3] =	sst s7  }
0x10: {  	[smem:$0x3FB4] =	sst s8  }
0x11: {  	[smem:$0x3FB5] =	sst s9;
	s0 =	simm.s32 @!p0 $0x0  }
0x12: {  	s1 =	sld [smem:$0x3F9B];
	s0 =	simm.s32 @p0 $0x1  }
0x13: {  	[smem:$0x3FB6] =	sst s0;
	s0 =	simm.s32 @!p1 $0x0  }
0x14: {  	s2 =	sld [smem:$0x3F9A];
	s0 =	simm.s32 @p1 $0x1  }
0x15: {  	[smem:$0x3FB7] =	sst s0;
	s0 =	simm.s32 @!p2 $0x0  }
0x16: {  	s3 =	sld [smem:$0x3FDB];
	s0 =	simm.s32 @p2 $0x1  }
0x17: {  	s4 =	simm.s32 $0x1BF5;
	[smem:$0x3FB9] =	sst s0  }
0x18: {  	s0 =	sld [smem:$0x3F9C];
	_ =	swait.ge [sflag:s4], $0x0  }
0x19: {  	s7 =	sld [smem:$0x3F9D]  }
0x1a: {  	s8 =	sadd.s32 $0xFFFFE003, lr  }
0x1b: {  	s9 =	sadd.s32 $0xFFFFFEF7, lr;
	s5 =	simm.s32 $0xFFFFFFFF;
	p2 =	slt.u32 s8, $0xFFFFF086  }
0x1c: {  	p1 =	slt.u32 s9, $0xF7A;
	s5 =	simm.s32 @!p2 $0x0  }
0x1d: {  	s5 =	simm.s32 @p1 $0x1;
	p0 =	seq.s32 s7, s2  }
0x1e: {  	s7 =	smul.u32 @!p0 $0xF7A, s2;
	p2 =	seq.s32 @!p0 s5, $0x0  }
0x1f: {  	s9 =	smul.u32 $0xF7A, s1;
	s8 =	simm.s32 @!p0 $0x1BF5;
	p2 =	por !p2, p0  }
0x20: {  	[sflag:s8] =	ssyncset.s32 @!p0 $0xFFFFF086;
	s6 =	sadd.s32 @!p0 s3, s7;
	s7 =	simm.s32 @!p0 $0x108  }
0x21: {  	s3 =	sadd.s32 s3, s9;
	s6 =	sadd.s32 @!p0 $0x88, s6;
	s7 =	simm.s32 @p2 $0x1082  }
0x22: {  	[simem:s7], [sflag:s8] =	dma.local @!p0 [hbm:s6], $0xF7A  }
0x23: {  	s9 =	sor.u32 $0xD0000000, s2;
	s6 =	simm.s32 $0x108;
	_ =	swait.ge @!p0 [sflag:s8], $0x0  }
0x24: {  	s3 =	sadd.s32 $0x88, s3;
	s6 =	simm.s32 @!p1 $0x1082;
	[sflag:s4] =	ssyncset.s32 $0xFFFFF086  }
0x25: {  	[simem:s6], [sflag:s4] =	dma.local [hbm:s3], $0xF7A  }
0x26: {  	[smem:$0x3F9D] =	sst s1;
	(tag) =	ssettag s2;
	_ =	strace s9  }
0x27: {  	s1 =	sld [smem:$0x3FAD]  }
0x28: {  	s2 =	sld [smem:$0x3FAE]  }
0x29: {  	s4 =	sld [smem:$0x3FB0]  }
0x2a: {  	p0 =	seq.s32 s5, $0x0;
	s5 =	sld [smem:$0x3FB1]  }
0x2b: {  	s6 =	sld [smem:$0x3FB2]  }
0x2c: {  	s7 =	sld [smem:$0x3FB3]  }
0x2d: {  	s3 =	simm.s32 $0x108;
	s8 =	sld [smem:$0x3FB4]  }
0x2e: {  	s3 =	simm.s32 @!p0 $0x1082;
	s9 =	sld [smem:$0x3FB5]  }
0x2f: {  	lr =	sadd.s32 s0, s3;
	s0 =	sld [smem:$0x3FAC]  }
0x30: {  	s3 =	sld [smem:$0x3FAF]  }
0x31: {  	[smem:$0x3FB8] =	sst s10  }
0x32: {  	s10 =	sld [smem:$0x3FB6];
	_ =	sdelay $0x3  }
0x33: {  	p0 =	seq.s32 s10, $0x1;
	s10 =	sld [smem:$0x3FB8];
	_ =	sdelay $0x3  }
0x34: {  	[smem:$0x3FB8] =	sst s10  }
0x35: {  	s10 =	sld [smem:$0x3FB7];
	_ =	sdelay $0x3  }
0x36: {  	p1 =	seq.s32 s10, $0x1;
	s10 =	sld [smem:$0x3FB8];
	_ =	sdelay $0x3  }
0x37: {  	[smem:$0x3FB8] =	sst s10  }
0x38: {  	s10 =	sld [smem:$0x3FB9]  }
0x39: {  	_ = 	snop;
	(pc) =	sbr.ind lr, $3  }
0x3a: {  	_ = 	snop  }
0x3b: {  	_ = 	snop  }
0x3c: {  	p2 =	seq.s32 s10, $0x1;
	s10 =	sld [smem:$0x3FB8]  }
0x3d: {  	_ =	shalt  }
0x3e: {  	_ =	shalt  }
0x3f: {  	_ =	shalt  }
0x40: {  	_ =	shalt  }
0x41: {  	_ =	shalt  }
0x42: {  	_ =	shalt  }
0x43: {  	_ =	shalt  }
0x44: {  	_ =	shalt  }
0x45: {  	_ =	shalt  }
0x46: {  	_ =	shalt  }
0x47: {  	_ =	shalt  }
0x48: {  	_ =	shalt  }
0x49: {  	_ =	shalt  }
0x4a: {  	_ =	shalt  }
0x4b: {  	_ =	shalt  }
0x4c: {  	_ =	shalt  }
0x4d: {  	_ =	shalt  }
0x4e: {  	_ =	shalt  }
0x4f: {  	_ =	shalt  }
0x50: {  	_ =	shalt  }
0x51: {  	_ =	shalt  }
0x52: {  	_ =	shalt  }
0x53: {  	_ =	shalt  }
0x54: {  	_ =	shalt  }
0x55: {  	_ =	shalt  }
0x56: {  	_ =	shalt  }
0x57: {  	_ =	shalt  }
0x58: {  	_ =	shalt  }
0x59: {  	_ =	shalt  }
0x5a: {  	_ =	shalt  }
0x5b: {  	_ =	shalt  }
0x5c: {  	_ =	shalt  }
0x5d: {  	_ =	shalt  }
0x5e: {  	_ =	shalt  }
0x5f: {  	_ =	shalt  }
0x60: {  	_ =	shalt  }
0x61: {  	_ =	shalt  }
0x62: {  	_ =	shalt  }
0x63: {  	_ =	shalt  }
0x64: {  	_ =	shalt  }
0x65: {  	_ =	shalt  }
0x66: {  	_ =	shalt  }
0x67: {  	_ =	shalt  }
0x68: {  	_ =	shalt  }
0x69: {  	_ =	shalt  }
0x6a: {  	_ =	shalt  }
0x6b: {  	_ =	shalt  }
0x6c: {  	_ =	shalt  }
0x6d: {  	_ =	shalt  }
0x6e: {  	_ =	shalt  }
0x6f: {  	_ =	shalt  }
0x70: {  	_ =	shalt  }
0x71: {  	_ =	shalt  }
0x72: {  	_ =	shalt  }
0x73: {  	_ =	shalt  }
0x74: {  	_ =	shalt  }
0x75: {  	_ =	shalt  }
0x76: {  	_ =	shalt  }
0x77: {  	_ =	shalt  }
0x78: {  	_ =	shalt  }
0x79: {  	_ =	shalt  }
0x7a: {  	_ =	shalt  }
0x7b: {  	_ =	shalt  }
0x7c: {  	_ =	shalt  }
0x7d: {  	_ =	shalt  }
0x7e: {  	_ =	shalt  }
0x7f: {  	_ =	shalt  }
0x80: {  	_ =	shalt  }
0x81: {  	_ =	shalt  }
0x82: {  	_ =	shalt  }
0x83: {  	_ =	shalt  }
0x84: {  	_ =	shalt  }
0x85: {  	_ =	shalt  }
0x86: {  	_ =	shalt  }
0x87: {  	_ =	shalt  }
.Lfunc_end0:
.L_simem_size_0:
called_computation_lowered:
.L_overlay_start_0:
0x88: {  	s2 =	sld [smem:$0x3FD9]  }
0x89: {  	s3 =	sld [smem:$0x3FFE];
	_ =	sdelay $0x1  }
0x8a: {  	s1 =	srdreg.scid  }
0x8b: {  	s0 =	sand.u32 $0x1, s1  }
0x8c: {  	s15 =	sshll.u32 s0, $0xA;
	s2 =	sadd.s32 s3, s2  }
0x8d: {  	s2 =	sadd.s32 s2, s15  }
0x8e: {  	[smem:$0x3FC4] =	sst s2  }
0x8f: {  	_ = 	snop  }
0x90: {  	s2 =	sld [smem:$0x3FD0];
	_ =	sdelay $0x2  }
0x91: {  	s4 =	simm.s32 $0xB;
	s16 =	simm.s32 $0x10  }
0x92: {  	[smem:s16], [sflag:s4] =	dma.local [hbm:s2], $0x1  }
0x93: {  	_ =	swait.eq [sflag:s4], $0x1  }
0x94: {  	[sflag:s4] =	ssyncset.done $0x0  }
0x95: {  	s17 =	sld [smem:$0x11];
	[sflag:s4] =	ssyncadd.s32 $0xFFFFFFFF  }
0x96: {  	s18 =	sld [smem:$0x13];
	(tm) =	ssettm $0x1  }
0x97: {  	s19 =	sld [smem:$0x3FFB];
	_ =	sdelay $0x3  }
0x98: {  	_ =	strace s19  }
0x99: {  	s2 =	sld [smem:$0x3FFC];
	_ =	sdelay $0x3  }
0x9a: {  	_ =	strace s2  }
0x9b: {  	s2 =	sld [smem:$0x3FFD];
	_ =	sdelay $0x3  }
0x9c: {  	_ =	strace s2  }
0x9d: {  	_ =	strace $0x8FFFFFFF  }
0x9e: {  	s20 =	sld [smem:$0x3FDB];
	_ =	sdelay $0x1  }
0x9f: {  	s5 =	simm.s32 $_scs_section_size  }
0xa0: {  	s6 =	simm.s32 $_size__tile_overlayer_lowered;
	s7 =	simm.s32 $_tile_overlayer_lowered  }
0xa1: {  	s8 =	simm.s32 $0x1BFF;
	s21 =	sshll.u32 s7, $0x1;
	s5 =	sadd.s32 s5, s20  }
0xa2: {  	s22 =	simm.s32 $0x0;
	s6 =	sshll.u32 s6, $0x1;
	s7 =	sadd.s32 s21, s5  }
0xa3: {  	[timem:s22], [sflag:s8] =	dma.local [hbm:s7], s6  }
0xa4: {  	_ =	swait.ge [sflag:s8], s6  }
0xa5: {  	s6 =	ssub.s32 $0x0, s6;
	[sflag:s8] =	ssyncset.done $0x0  }
0xa6: {  	[sflag:s8] =	ssyncadd.s32 s6;
	_ =	sdelay $0x1  }
0xa7: {  	s23 =	simm.s32 $0x1B8B  }
0xa8: {  	_ =	swait.ge [sflag:s23], $0x1  }
0xa9: {  	[sflag:s23] =	ssyncset.done $0x0  }
0xaa: {  	[sflag:s23] =	ssyncadd.s32 $0xFFFFFFFF  }
0xab: {  	s6 =	sld [smem:$0x0]  }
0xac: {  	s7 =	sand.u32 $0xFFFFFFFE, s1  }
0xad: {  	p0 =	sne.s32 s1, s7  }
0xae: {  	s7 =	sshll.u32 @p0 s7, $0xE  }
0xaf: {  	s7 =	sadd.s32 @p0 $0x11B8D, s7;
	s8 =	sshll.u32 @p0 s6, $0x11  }
0xb0: {  	s7 =	sor.u32 @p0 s8, s7  }
0xb1: {  	[sflag:s7] =	ssyncadd.remote.s32 @p0 $0x1;
	_ =	sdelay $0x1  }
0xb2: {  	s7 =	simm.s32 @p0 $0x1B8D  }
0xb3: {  	_ =	swait.eq @p0 [sflag:s7], $0x1  }
0xb4: {  	[sflag:s7] =	ssyncadd.s32 @p0 $0xFFFFFFFF  }
0xb5: {  	s8 =	sshll.u32 @!p0 s1, $0xE  }
0xb6: {  	s8 =	sor.u32 @!p0 $0x4000, s8;
	s7 =	simm.s32 @!p0 $0x1B8D  }
0xb7: {  	s6 =	sshll.u32 @!p0 s6, $0x11;
	s8 =	sadd.s32 @!p0 $0x11B8D, s8;
	_ =	swait.eq @!p0 [sflag:s7], $0x1  }
0xb8: {  	s6 =	sor.u32 @!p0 s6, s8;
	[sflag:s7] =	ssyncadd.s32 @!p0 $0xFFFFFFFF  }
0xb9: {  	s25 =	simm.s32 $0x1B8E;
	s24 =	sld [smem:$0x3FFE];
	[sflag:s6] =	ssyncadd.remote.s32 @!p0 $0x1  }
0xba: {  	s26 =	simm.s32 $execute0_lowered;
	[smem:$0x3FD2] =	sst s25  }
0xbb: {  	s7 =	sshll.u32 s26, $0x1;
	_ =	strace $0x80000049;
	[dreg:$0x1] =	wrdreg $0xFFFFFFFF  }
0xbc: {  	s28 =	simm.s32 $_size_execute0_lowered;
	s5 =	sadd.s32 s5, s7;
	[dreg:$0x0] =	wrdreg $0x0  }
0xbd: {  	s7 =	sshll.u32 s28, $0x1;
	[dreg:$0x2] =	wrdreg s5  }
0xbe: {  	[dreg:$0x3] =	wrdreg s7  }
0xbf: {  	[dreg:$0x4] =	wrdreg $0xC0  }
0xc0: {  	_ =	task [dreg:s22], $0x5FFFF  }
0xc1: {  	[dreg:$0x1] =	wrdreg $0xFFFFFFFF  }
0xc2: {  	[dreg:$0x0] =	wrdreg $0x60  }
0xc3: {  	[dreg:$0x2] =	wrdreg s24  }
0xc4: {  	[dreg:$0x3] =	wrdreg s18  }
0xc5: {  	[dreg:$0x4] =	wrdreg s17  }
0xc6: {  	[dreg:$0x5] =	wrdreg $0x9  }
0xc7: {  	_ =	task.clear_ibuf [dreg:s22], $0x6FFFF;
	_ =	strace $0x90000049  }
0xc8: {  	s29 =	simm.s32 $0x9;
	_ =	strace $0x8000004B  }
0xc9: {  	_ =	swait.ge [sflag:s29], $0x1  }
0xca: {  	[sflag:s29] =	ssyncadd.s32 $0xFFFFFFFF  }
0xcb: {  	_ =	strace $0x9000004B  }
0xcc: {  	_ =	sfence  }
0xcd: {  	s30 =	sld [smem:$0x0];
	_ =	sdelay $0x2  }
0xce: {  	s31 =	sshll.u32 s1, $0xD;
	s1 =	sshrl.u32 s1, $0x2  }
0xcf: {  	s4 =	sand.u32 $0x4000, s31;
	s1 =	sadd.s32 s1, s30  }
0xd0: {  	s0 =	sor.u32 s4, s0;
	s1 =	sshll.u32 s1, $0x11  }
0xd1: {  	s0 =	sor.u32 s1, s0  }
0xd2: {  	s0 =	sadd.s32 $0x8F2B, s0  }
0xd3: {  	[sflag:s0] =	ssyncadd.remote.s32 $0x1  }
0xd4: {  	_ =	sfence.sel $0xFFFF  }
0xd5: {  	[dreg:$0x0] =	wrdreg $0xFFFFFFFF;
	(pc) =	sbr.abs _section_cstart, $3  }
0xd6: {  	[dreg:$0x1] =	wrdreg $0xFFFFFFFF  }
0xd7: {  	_ =	task.clear_ibuf [dreg:s22], $0x2FFFF;
	_ =	strace $0x9FFFFFFF  }
0xd8: {  	(tm) =	ssettm $0x7FFFFFFF  }
0xd9: {  	_ =	shalt  }
tec
execute0_lowered:
.L_overlay_start_1:
0x0: {  	(tag) =	ssettag $0x1  }
0x1: {  	s7 =	rddreg [dreg:$0x0]  }
0x2: {  	s2 =	rddreg [dreg:$0x1]  }
0x3: {  	s3 =	rddreg [dreg:$0x2]  }
0x4: {  	s0 =	rddreg [dreg:$0x3];
	s1 =	srdreg.scid;
	_ =	strace $0x8000004A  }
0x5: {  	s4 =	simm.s32 $0x1;
	s9 =	simm.s32 $0x3;
	s5 =	sshll.u32 s1, $0x4  }
.Ltmp0:
0x6: {  	s1 =	stileid.u32;
	s5 =	sand.u32 $0x10, s5;
	(pc) =	sbr.rel .LBB2_1-.Ltmp0, $4  }
0x7: {  	s12 =	simm.s32 $0x0;
	s10 =	simm.s32 $0x0;
	s6 =	sor.u32 s1, s5  }
0x8: {  	[sflag:s4] =	ssyncpa.u1 $0x0;
	s5 =	simm.s32 $0x2;
	s6 =	sshll.u32 s6, $0x6  }
0x9: {  	s7 =	sadd.s32 $0x189C00, s7;
	[sflag:s5] =	ssyncpa.u1 $0x0;
	s8 =	sadd.s32 $0x40, s6  }
0xa: {  	vm0 =	vmmov $0xff;
	vm1 =	vcmask $0x3F20;
	[sflag:s9] =	ssyncpa.u1 $0x0;
	s9 =	simm.s32 $0x40;
	s11 =	smov.u32 s6  }
.LBB2_9:
0xb: {  	p0 =	seq.s32 s10, $0x2  }
.Ltmp1:
0xc: {  	_ = 	snop;
	(pc) =	sbr.rel @p0 .LBB2_11-.Ltmp1, $1  }
0xd: {  	_ =	sdelay $0x3  }
.LBB2_10:
0xe: {  	s12 =	sadd.s32 $0x40, s11  }
0xf: {  	s13 =	smov.u32 s6;
	p0 =	slt.s32 s12, s8  }
0x10: {  	s13 =	smov.u32 @p0 s12  }
0x11: {  	s10 =	sadd.s32 $0x1, s10;
	s12 =	smov.u32 s11;
	s11 =	smov.u32 s13  }
.LBB2_1:
0x12: {  	p0 =	sne.s32 s10, $0x0  }
.Ltmp2:
0x13: {  	_ = 	snop;
	(pc) =	sbr.rel @!p0 .LBB2_2-.Ltmp2, $1  }
0x14: {  	_ =	sdelay $0x3  }
0x15: {  	s13 =	sand.u32 $0x1, s10  }
0x16: {  	p0 =	seq.s32 s13, $0x0  }
.Ltmp3:
0x17: {  	_ = 	snop;
	(pc) =	sbr.rel @p0 .LBB2_9-.Ltmp3, $1  }
0x18: {  	_ =	sdelay $0x3  }
0x19: {  	_ =	swait.ge [sflag:s5], $0x40  }
0x1a: {  	[sflag:s5] =	ssyncset.done $0x0  }
0x1b: {  	s13 =	simm.s32 $0x0;
	[sflag:s5] =	ssyncadd.s32 $0xFFFFFFC0  }
0x1c: {  	v0 =	vld.msk [tilespmem:s13+$0x40 ss:$0x1], $0xffff;
	_ =	sdelay $0x4  }
0x1d: {  	vm2 =	vgt.s32 v0, $0x0  }
0x1e: {  	v0 =	vnsel vm2, $0x0, v0  }
0x1f: {  	v0 =	vmin.u32 v0, $0x187FF  }
0x20: {  	v0 =	vshll.u32 v0, $0x4;
	_ =	sdelay $0x3  }
0x21: {  	s13 =	simm.s32 $0x2080  }
0x22: {  	[tilespmem:s13], [sflag:$0x1] =	stream.indirect_vreg.gather [hbm:s7], $0x80, v0, vm0, $0x38;
	[tilespmem:$0x4080] =	vst v63  }
0x23: {  	s14 =	simm.s32 $0x2480;
	s31 =	simm.s32 $0x10  }
0x24: {  	[tilespmem:s14], [sflag:$0x1] =	stream.indirect_vreg.gather [hbm:s7], $0x80, v0, vm1, $0x38;
	[tilespmem:$0x4080] =	vst v63  }
0x25: {  	s14 =	simm.s32 $0x80;
	v0 =	vld.msk [tilespmem:s31+$0x40 ss:$0x1], $0xffff  }
.LBB2_5:
0x26: {  	p0 =	sne.s32 s14, $0xC0;
	_ =	sdelay $0x4  }
0x27: {  	vm2 =	vgt.s32 v0, $0x0  }
0x28: {  	v0 =	vnsel vm2, $0x0, v0  }
0x29: {  	v0 =	vmin.u32 v0, $0x187FF  }
0x2a: {  	v0 =	vshll.u32 v0, $0x4;
	_ =	sdelay $0x3  }
.Ltmp4:
0x2b: {  	s13 =	sadd.s32 $0x800, s13;
	(pc) =	sbr.rel @p0 .LBB2_5-.Ltmp4, $4  }
0x2c: {  	[tilespmem:s13], [sflag:$0x1] =	stream.indirect_vreg.gather [hbm:s7], $0x80, v0, vm0, $0x38;
	[tilespmem:$0x4080] =	vst v63  }
0x2d: {  	s15 =	sshra.s32 s14, $0x2;
	s16 =	sadd.s32 $0x400, s13  }
0x2e: {  	[tilespmem:s16], [sflag:$0x1] =	stream.indirect_vreg.gather [hbm:s7], $0x80, v0, vm1, $0x38;
	[tilespmem:$0x4080] =	vst v63  }
0x2f: {  	s14 =	sadd.s32 $0x40, s14;
	v0 =	vld.msk [tilespmem:s15+$0x40 ss:$0x1], $0xffff  }
0x30: {  	_ =	sdelay $0x3  }
0x31: {  	vm2 =	vgt.s32 v0, $0x0  }
0x32: {  	v0 =	vnsel vm2, $0x0, v0  }
0x33: {  	v0 =	vmin.u32 v0, $0x187FF  }
0x34: {  	v0 =	vshll.u32 v0, $0x4;
	_ =	sdelay $0x3  }
0x35: {  	s13 =	sadd.s32 $0x800, s13  }
0x36: {  	[tilespmem:s13], [sflag:$0x1] =	stream.indirect_vreg.gather [hbm:s7], $0x80, v0, vm0, $0x38;
	[tilespmem:$0x4080] =	vst v63  }
0x37: {  	s13 =	sadd.s32 $0x400, s13  }
0x38: {  	[tilespmem:s13], [sflag:$0x1] =	stream.indirect_vreg.gather [hbm:s7], $0x80, v0, vm1, $0x38;
	[tilespmem:$0x4080] =	vst v63  }
0x39: {  	s12 =	sshll.u32 s12, $0x4;
	s14 =	simm.s32 $0x80;
	_ =	swait.ge [sflag:s4], $0x2000  }
0x3a: {  	s15 =	simm.s32 $0x2480;
	s12 =	sadd.s32 s12, s3;
	[sflag:s4] =	ssyncset.done $0x0  }
0x3b: {  	s16 =	sadd.s32 $0x0, s12;
	s13 =	simm.s32 $0x2080;
	[sflag:s4] =	ssyncadd.s32 $0xFFFFE000  }
.LBB2_7:
0x3c: {  	[hbm:s16] =	stream.linear.scatter [tilespmem:s13], [sflag:$0x3], $0x400, $0x38;
	[tilespmem:$0x4080] =	vst v63  }
0x3d: {  	s16 =	smov.u32 s14;
	s13 =	smov.u32 s15;
	p0 =	sne.s32 s14, $0x380  }
.Ltmp5:
0x3e: {  	s14 =	sadd.s32 $0x80, s14;
	(pc) =	sbr.rel @p0 .LBB2_7-.Ltmp5, $2  }
0x3f: {  	_ =	sdelay $0x2  }
0x40: {  	s15 =	sadd.s32 $0x400, s15;
	s16 =	sadd.s32 s16, s12  }
.Ltmp6:
0x41: {  	(pc) =	sbr.rel .LBB2_9-.Ltmp6, $2  }
0x42: {  	_ =	sdelay $0x2  }
0x43: {  	[hbm:s16] =	stream.linear.scatter [tilespmem:s13], [sflag:$0x3], $0x400, $0x38;
	[tilespmem:$0x4080] =	vst v63  }
.LBB2_2:
.Ltmp7:
0x44: {  	(pc) =	sbr.rel .LBB2_10-.Ltmp7, $4  }
0x45: {  	_ = 	snop  }
0x46: {  	s12 =	sshrl.u32 s11, $0x3  }
0x47: {  	s13 =	sand.u32 $0x7, s11;
	s12 =	sadd.s32 s2, s12  }
0x48: {  	[tilespmem:s9], [sflag:$0x2] =	stream.linear.gather [hbm4b:s12+s13], $0x40, $0x38;
	[tilespmem:$0x4080] =	vst v63  }
.LBB2_11:
0x49: {  	s2 =	simm.s32 $0x3  }
0x4a: {  	_ =	swait.ge [sflag:s2], $0x2000  }
0x4b: {  	[sflag:s2] =	ssyncset.done $0x0  }
0x4c: {  	[sflag:s2] =	ssyncadd.s32 $0xFFFFE000  }
0x4d: {  	_ =	sfence.sel $0x180000  }
0x4e: {  	s3 =	simm.s32 $0x2;
	[bflag:$0x0] =	sbarrier.arrive $0xFFFF  }
0x4f: {  	[sflag:s3] =	ssyncpa.u1 $0x1  }
0x50: {  	s31 =	simm.s32 $0x1;
	[sflag:s2] =	ssyncpa.u1 $0x1  }
0x51: {  	[sflag:s31] =	ssyncpa.u1 $0x1  }
0x52: {  	p0 =	sne.s32 s1, $0x0;
	_ =	strace $0x9000004A  }
0x53: {  	s0 =	sadd.s32 @!p0 $0x100000, s0;
	[bflag:$0x2] =	sbarrier.arrive $0xFFFF  }
0x54: {  	[sflag:s0] =	ssyncadd.tile.s32 @!p0 $0x1;
	_ =	shalt  }
.Lfunc_end2:
_tile_overlayer_lowered:
.L_overlay_start_2:
0x55: {  	(tag) =	ssettag $0x2  }
0x56: {  	s0 =	rddreg [dreg:$0x0];
	s2 =	stileid.u32  }
0x57: {  	s1 =	rddreg [dreg:$0x1];
	p0 =	sne.s32 s2, $0x0  }
0x58: {  	s3 =	rddreg [dreg:$0x2];
	[bflag:$0x3] =	sbarrier.arrive $0xFFFF;
	s2 =	simm.s32 @!p0 $0x1C01  }
0x59: {  	[timem:s3], [sflag:s2] =	dma.local @!p0 [hbm:s0], s1  }
0x5a: {  	s0 =	simm.s32 @!p0 $0x1  }
0x5b: {  	_ =	swait.ge @!p0 [sflag:s0], s1  }
0x5c: {  	s1 =	ssub.s32 @!p0 $0x0, s1;
	[sflag:s0] =	ssyncset.done @!p0 $0x0  }
0x5d: {  	[sflag:s0] =	ssyncadd.s32 @!p0 s1  }
0x5e: {  	[bflag:$0x3] =	sbarrier.arrive $0xFFFF  }
0x5f: {  	_ =	shalt  }

</sc_bundles>
